<compile_context>
chip_gen: v7x
topology: tpu7x:2x2x1
jax: 0.10.2.dev20260603
libtpu: 0.0.44.dev20260713+nightly
codegen_flags: <defaults>
</compile_context>

<pallas_src>
import functools

import jax
import jax.numpy as jnp
from jax import lax
from jax.experimental import pallas as pl
from jax.experimental.pallas import tpu as pltpu
from jax.experimental.pallas import tpu_sc as plsc

BATCH = 16384
DIM = 64
NBLK = 7813
NB = 244
CHW = 512
RING = 2
OUT_RING = 16


@functools.cache
def _build():
    info = plsc.get_sparse_core_info()
    nc, ns = info.num_cores, info.num_subcores
    nw = nc * ns
    mesh = plsc.VectorSubcoreMesh(core_axis_name="c", subcore_axis_name="s")

    @functools.partial(
        pl.kernel,
        mesh=mesh,
        out_type=jax.ShapeDtypeStruct((BATCH, DIM), jnp.float32),
        scratch_types=[
            pltpu.VMEM((BATCH,), jnp.int32),
            pltpu.VMEM((BATCH + 16,), jnp.int32),
            pltpu.VMEM((BATCH + 16,), jnp.int32),
            pltpu.VMEM((80,), jnp.int32),
            pltpu.VMEM((80,), jnp.int32),
            pltpu.VMEM((80,), jnp.int32),
            pltpu.VMEM((RING, DIM, CHW), jnp.float32),
            pltpu.VMEM((OUT_RING, DIM), jnp.float32),
            pltpu.SemaphoreType.DMA,
            pltpu.SemaphoreType.DMA,
        ],
        compiler_params=pltpu.CompilerParams(needs_layout_passes=False),
    )
    def gather_kernel(idx_hbm, tab_t_hbm, out_hbm, idx_full, ent_w, srt_w,
                      counts, offs, fill, chunk_v, row_v, sem, sem_out):
        wid = lax.axis_index("s") * nc + lax.axis_index("c")
        last = wid == nw - 1
        lo_b = wid * NB
        n_b = NB + 5 * last.astype(jnp.int32)
        n_ch = NB // 4 + last.astype(jnp.int32)
        lanes = lax.iota(jnp.int32, 16)
        zeros = jnp.zeros((16,), jnp.int32)
        lane0_mask = lanes == 0

        def fire_chunk(ch):
            lane0 = pl.multiple_of((lo_b + ch * 4) << 7, 128)
            pltpu.async_copy(
                tab_t_hbm.at[:, pl.ds(lane0, CHW)],
                chunk_v.at[ch & (RING - 1)],
                sem,
            )

        def prologue(ch, _):
            fire_chunk(ch)
            return _

        lax.fori_loop(0, RING, prologue, 0)
        pltpu.sync_copy(idx_hbm, idx_full)

        def scan_body(g, n):
            ids = idx_full[pl.ds(g * 16, 16)]
            blk = ids >> 7
            m = (blk >= lo_b) & (blk < lo_b + n_b)
            rel = blk - lo_b
            packed = (
                ((rel >> 2) << 23)
                | ((((rel & 3) << 7) | (ids & 127)) << 14)
                | (g * 16 + lanes)
            )
            plsc.store_compressed(ent_w.at[pl.ds(n, 16)], packed, mask=m)
            return n + plsc.all_reduce_population_count(m)[0]

        n_ent = lax.fori_loop(0, BATCH // 16, scan_body, 0)

        for k in range(5):
            counts[pl.ds(k * 16, 16)] = zeros

        def count_body(e, _):
            b16 = zeros + (ent_w[pl.ds(e, 16)][0] >> 23)
            c = plsc.load_gather(counts, [b16])
            plsc.store_scatter(counts, [b16], c + 1, mask=lane0_mask)
            return _

        lax.fori_loop(0, n_ent, count_body, 0)

        carry = jnp.int32(0)
        for k in range(4):
            cv = counts[pl.ds(k * 16, 16)]
            s = plsc.cumsum(cv)
            start = s - cv + carry
            offs[pl.ds(k * 16, 16)] = start
            fill[pl.ds(k * 16, 16)] = start
            carry = carry + s[15]

        def place_body(e, _):
            w = ent_w[pl.ds(e, 16)][0]
            b16 = zeros + (w >> 23)
            o = plsc.load_gather(fill, [b16])
            plsc.store_scatter(srt_w, [o], zeros + w, mask=lane0_mask)
            plsc.store_scatter(fill, [b16], o + 1, mask=lane0_mask)
            return _

        lax.fori_loop(0, n_ent, place_body, 0)

        def run_chunk(ch, slot, processed):
            st = offs[pl.ds(ch, 16)][0]
            ne = counts[pl.ds(ch, 16)][0]
            s16 = zeros + slot

            def e_body(e, pr):
                w = srt_w[pl.ds(e, 16)][0]
                pv = w & 16383
                r16 = zeros + ((w >> 14) & 511)
                rslot = pr & (OUT_RING - 1)

                @pl.when(pr >= OUT_RING)
                def _drain_one():
                    pltpu.make_async_copy(
                        out_hbm.at[0], row_v.at[rslot], sem_out
                    ).wait()

                for k in range(DIM // 16):
                    c16 = lanes + (k * 16)
                    val = plsc.load_gather(chunk_v, [s16, c16, r16])
                    row_v[rslot, pl.ds(k * 16, 16)] = val
                pltpu.async_copy(row_v.at[rslot], out_hbm.at[pv], sem_out)
                return pr + 1

            return lax.fori_loop(st, st + ne, e_body, processed)

        def chunk_body(ch, processed):
            slot = ch & (RING - 1)
            pltpu.make_async_copy(
                tab_t_hbm.at[:, pl.ds(0, CHW)], chunk_v.at[slot], sem
            ).wait()
            processed = run_chunk(ch, slot, processed)

            @pl.when(ch + RING < n_ch)
            def _refill():
                fire_chunk(ch + RING)

            return processed

        processed = lax.fori_loop(0, n_ch, chunk_body, 0)

        @pl.when(last)
        def _tail_block():
            lane_t = pl.multiple_of((NBLK - 1) * 128 + wid * 0, 128)
            pltpu.sync_copy(
                tab_t_hbm.at[:, pl.ds(lane_t, 128)],
                chunk_v.at[0, :, pl.ds(0, 128)],
            )

        processed = lax.cond(
            last,
            lambda p: run_chunk(NB // 4 + 1, 0, p),
            lambda p: p,
            processed,
        )

        def drain_body(k, _):
            @pl.when(k < jnp.minimum(processed, OUT_RING))
            def _d():
                pltpu.make_async_copy(
                    out_hbm.at[0], row_v.at[k & (OUT_RING - 1)], sem_out
                ).wait()

            return _

        lax.fori_loop(0, OUT_RING, drain_body, 0)

    return gather_kernel


def kernel(problem_id, embedding_table):
    gather_kernel = _build()
    return gather_kernel(problem_id, embedding_table.T)

# --- scband reference (transcript-rebuilt; emitter-appended) ---
"""Pipeline reference for scband-problem-embedding-table-16793322127822 (READ-ONLY COPY).

The authoritative reference and input builder live on the scoring server;
editing this copy changes nothing except your own understanding.
"""

import jax, jax.numpy as jnp
import numpy as np

NUM_PROBLEMS = 1000000
EMBEDDING_DIM = 64
BATCH = 16384

def setup_inputs(seed: int = 0) -> dict:
    key = jax.random.key(seed)
    k_idx, k_tab = jax.random.split(key)
    problem_id = jax.random.randint(k_idx, (BATCH,), 0, NUM_PROBLEMS, dtype=jnp.int64 if jax.config.jax_enable_x64 else jnp.int32).astype(jnp.int32)
    embedding_table = (jax.random.normal(k_tab, (NUM_PROBLEMS, EMBEDDING_DIM), dtype=jnp.float32) * 0.1)
    return {"problem_id": problem_id, "embedding_table": embedding_table}

def reference(problem_id, embedding_table):
    # Faithful translation: nn.Embedding lookup -> gather rows from table
    return jnp.take(embedding_table, problem_id, axis=0)

if __name__ == "__main__":
    import jax
    _d = setup_inputs()
    print(jax.jit(kernel)(*tuple(_d.values())))

</pallas_src>

<mosaic_0001>
#map = affine_map<(d0, d1) -> (0)>
#map1 = affine_map<(d0, d1) -> (0, 0)>
module attributes {stable_mosaic.version = 14 : i64} {
  func.func @gather_kernel(%arg0: i32, %arg1: i32, %arg2: memref<16384xi32, #tpu.memory_space<hbm>>, %arg3: memref<64x1000000xf32, #tpu.memory_space<hbm>>, %arg4: memref<16384x64xf32, #tpu.memory_space<hbm>>, %arg5: memref<16384xi32, #tpu.memory_space<vmem>>, %arg6: memref<16400xi32, #tpu.memory_space<vmem>>, %arg7: memref<16400xi32, #tpu.memory_space<vmem>>, %arg8: memref<80xi32, #tpu.memory_space<vmem>>, %arg9: memref<80xi32, #tpu.memory_space<vmem>>, %arg10: memref<80xi32, #tpu.memory_space<vmem>>, %arg11: memref<2x64x512xf32, #tpu.memory_space<vmem>>, %arg12: memref<16x64xf32, #tpu.memory_space<vmem>>, %arg13: memref<!tpu.dma_semaphore, #tpu.memory_space<semaphore_mem>>, %arg14: memref<!tpu.dma_semaphore, #tpu.memory_space<semaphore_mem>>) attributes {dimension_semantics = [#tpu.dimension_semantics<core_parallel>, #tpu.dimension_semantics<subcore_parallel>], iteration_bounds = array<i64: 2, 16>, scalar_prefetch = 0 : i64, scratch_operands = 10 : i64, tpu.core_type = #tpu.core_type<sc_vector_subcore>, window_params = [{transform_indices = #map}, {transform_indices = #map1}, {transform_indices = #map1}]} {
    %mul3A = arith.constant 2 : i32
    %mul3A_0 = arith.muli %arg1, %mul3A : i32
    %add3A = arith.addi %mul3A_0, %arg0 : i32
    %eq3A = arith.constant 31 : i32
    %eq3A_1 = arith.cmpi eq, %add3A, %eq3A : i32
    %mul3A_2 = arith.constant 244 : i32
    %mul3A_3 = arith.muli %add3A, %mul3A_2 : i32
    %convert_element_type3A = arith.extui %eq3A_1 : i1 to i32
    %mul3A_4 = arith.constant 5 : i32
    %mul3A_5 = arith.muli %mul3A_4, %convert_element_type3A : i32
    %add3A_6 = arith.constant 244 : i32
    %add3A_7 = arith.addi %add3A_6, %mul3A_5 : i32
    %convert_element_type3A_8 = arith.extui %eq3A_1 : i1 to i32
    %add3A_9 = arith.constant 61 : i32
    %add3A_10 = arith.addi %add3A_9, %convert_element_type3A_8 : i32
    %iota3A = tpu.iota {dimensions = array<i32: 0>} : vector<16xi32>
    %broadcast_in_dim3A = arith.constant 0 : i32
    %broadcast_in_dim3A_11 = vector.broadcast %broadcast_in_dim3A : i32 to vector<16xi32>
    %eq3A_12 = arith.constant 0 : i32
    %eq3A_13 = vector.broadcast %eq3A_12 : i32 to vector<16xi32>
    %eq3A_14 = arith.cmpi eq, %iota3A, %eq3A_13 : vector<16xi32>
    %scan3A = arith.constant 0 : i32
    %scan3A_15 = arith.constant 0 : i32
    %scan3A_16 = arith.constant 2 : i32
    %scan3A_17 = arith.addi %scan3A_15, %scan3A_16 : i32
    %scan3A_18 = arith.constant 1 : i32
    scf.for %scan3A_136 = %scan3A_15 to %scan3A_17 step %scan3A_18  : i32 {
      %mul3A_137 = arith.constant 4 : i32
      %mul3A_138 = arith.muli %scan3A_136, %mul3A_137 : i32
      %add3A_139 = arith.addi %mul3A_3, %mul3A_138 : i32
      %shift_left3A = arith.constant 7 : i32
      %shift_left3A_140 = arith.shli %add3A_139, %shift_left3A : i32
      %multiple_of3A = tpu.assume_multiple %shift_left3A_140, 128 : i32
      %and3A = arith.constant 1 : i32
      %and3A_141 = arith.andi %scan3A_136, %and3A : i32
      %dma_start3A = arith.constant 0 : i32
      %dma_start3A_142 = arith.constant 0 : i32
      %dma_start3A_143 = tpu.memref_slice %arg11[%and3A_141, %dma_start3A, %dma_start3A_142] : memref<2x64x512xf32, #tpu.memory_space<vmem>> -> memref<1x64x512xf32, #tpu.memory_space<vmem>>
      %dma_start3A_144 = tpu.memref_squeeze %dma_start3A_143 : memref<1x64x512xf32, #tpu.memory_space<vmem>> -> memref<64x512xf32, #tpu.memory_space<vmem>>
      %dma_start3A_145 = arith.constant 0 : i32
      %dma_start3A_146 = tpu.memref_slice %arg3[%dma_start3A_145, %multiple_of3A] : memref<64x1000000xf32, #tpu.memory_space<hbm>> -> memref<64x512xf32, #tpu.memory_space<hbm>>
      %dma_start3A_147 = arith.constant 0 : i32
      %dma_start3A_148 = arith.constant 0 : i32
      %dma_start3A_149 = tpu.memref_slice %arg11[%and3A_141, %dma_start3A_147, %dma_start3A_148] : memref<2x64x512xf32, #tpu.memory_space<vmem>> -> memref<1x64x512xf32, #tpu.memory_space<vmem>>
      %dma_start3A_150 = tpu.memref_squeeze %dma_start3A_149 : memref<1x64x512xf32, #tpu.memory_space<vmem>> -> memref<64x512xf32, #tpu.memory_space<vmem>>
      %dma_start3A_151 = arith.constant 0 : i32
      %dma_start3A_152 = tpu.memref_slice %arg3[%dma_start3A_151, %multiple_of3A] : memref<64x1000000xf32, #tpu.memory_space<hbm>> -> memref<64x512xf32, #tpu.memory_space<hbm>>
      tpu.enqueue_dma source(%dma_start3A_152 : memref<64x512xf32, #tpu.memory_space<hbm>>) target(%dma_start3A_150 : memref<64x512xf32, #tpu.memory_space<vmem>>) target_semaphore(%arg13 : memref<!tpu.dma_semaphore, #tpu.memory_space<semaphore_mem>>)
    }
    %scan3A_19 = arith.constant 2 : i32
    "tpu.region"() ({
      %run_scoped3A = tpu.sem_alloc : memref<!tpu.dma_semaphore, #tpu.memory_space<semaphore_mem>>
      tpu.enqueue_dma source(%arg2 : memref<16384xi32, #tpu.memory_space<hbm>>) target(%arg5 : memref<16384xi32, #tpu.memory_space<vmem>>) target_semaphore(%run_scoped3A : memref<!tpu.dma_semaphore, #tpu.memory_space<semaphore_mem>>)
      tpu.wait_dma2 semaphore(%run_scoped3A : memref<!tpu.dma_semaphore, #tpu.memory_space<semaphore_mem>>) src(%arg2 : memref<16384xi32, #tpu.memory_space<hbm>>) dst(%arg5 : memref<16384xi32, #tpu.memory_space<vmem>>)
      tpu.yield
    }) : () -> ()
    %scan3A_20 = arith.constant 0 : i32
    %scan3A_21 = arith.constant 0 : i32
    %scan3A_22 = arith.constant 1024 : i32
    %scan3A_23 = arith.addi %scan3A_21, %scan3A_22 : i32
    %scan3A_24 = arith.constant 1 : i32
    %scan3A_25 = scf.for %scan3A_136 = %scan3A_21 to %scan3A_23 step %scan3A_24 iter_args(%scan3A_137 = %scan3A_20) -> (i32)  : i32 {
      %mul3A_138 = arith.constant 16 : i32
      %mul3A_139 = arith.muli %scan3A_136, %mul3A_138 : i32
      %get3A_140 = arith.index_cast %mul3A_139 : i32 to index
      %get3A_141 = tpu.vector_load %arg5[%get3A_140] {strides = array<i32>} : memref<16384xi32, #tpu.memory_space<vmem>>, vector<16xi32>,
      %shift_right_arithmetic3A = arith.constant 7 : i32
      %shift_right_arithmetic3A_142 = vector.broadcast %shift_right_arithmetic3A : i32 to vector<16xi32>
      %shift_right_arithmetic3A_143 = arith.shrsi %get3A_141, %shift_right_arithmetic3A_142 : vector<16xi32>
      %ge3A = vector.broadcast %mul3A_3 : i32 to vector<16xi32>
      %ge3A_144 = arith.cmpi sge, %shift_right_arithmetic3A_143, %ge3A : vector<16xi32>
      %add3A_145 = arith.addi %mul3A_3, %add3A_7 : i32
      %lt3A = vector.broadcast %add3A_145 : i32 to vector<16xi32>
      %lt3A_146 = arith.cmpi slt, %shift_right_arithmetic3A_143, %lt3A : vector<16xi32>
      %and3A = arith.andi %ge3A_144, %lt3A_146 : vector<16xi1>
      %sub3A_147 = vector.broadcast %mul3A_3 : i32 to vector<16xi32>
      %sub3A_148 = arith.subi %shift_right_arithmetic3A_143, %sub3A_147 : vector<16xi32>
      %shift_right_arithmetic3A_149 = arith.constant 2 : i32
      %shift_right_arithmetic3A_150 = vector.broadcast %shift_right_arithmetic3A_149 : i32 to vector<16xi32>
      %shift_right_arithmetic3A_151 = arith.shrsi %sub3A_148, %shift_right_arithmetic3A_150 : vector<16xi32>
      %shift_left3A = arith.constant 23 : i32
      %shift_left3A_152 = vector.broadcast %shift_left3A : i32 to vector<16xi32>
      %shift_left3A_153 = arith.shli %shift_right_arithmetic3A_151, %shift_left3A_152 : vector<16xi32>
      %and3A_154 = arith.constant 3 : i32
      %and3A_155 = vector.broadcast %and3A_154 : i32 to vector<16xi32>
      %and3A_156 = arith.andi %sub3A_148, %and3A_155 : vector<16xi32>
      %shift_left3A_157 = arith.constant 7 : i32
      %shift_left3A_158 = vector.broadcast %shift_left3A_157 : i32 to vector<16xi32>
      %shift_left3A_159 = arith.shli %and3A_156, %shift_left3A_158 : vector<16xi32>
      %and3A_160 = arith.constant 127 : i32
      %and3A_161 = vector.broadcast %and3A_160 : i32 to vector<16xi32>
      %and3A_162 = arith.andi %get3A_141, %and3A_161 : vector<16xi32>
      %or3A = arith.ori %shift_left3A_159, %and3A_162 : vector<16xi32>
      %shift_left3A_163 = arith.constant 14 : i32
      %shift_left3A_164 = vector.broadcast %shift_left3A_163 : i32 to vector<16xi32>
      %shift_left3A_165 = arith.shli %or3A, %shift_left3A_164 : vector<16xi32>
      %or3A_166 = arith.ori %shift_left3A_153, %shift_left3A_165 : vector<16xi32>
      %mul3A_167 = arith.constant 16 : i32
      %mul3A_168 = arith.muli %scan3A_136, %mul3A_167 : i32
      %add3A_169 = vector.broadcast %mul3A_168 : i32 to vector<16xi32>
      %add3A_170 = arith.addi %add3A_169, %iota3A : vector<16xi32>
      %or3A_171 = arith.ori %or3A_166, %add3A_170 : vector<16xi32>
      %swap3A_172 = arith.index_cast %scan3A_137 : i32 to index
      %swap3A_173 = tpu.vector_load %arg6[%swap3A_172] masked %and3A {strides = array<i32>} : memref<16400xi32, #tpu.memory_space<vmem>>, vector<16xi32>, vector<16xi1>
      tpu.vector_store %arg6[%swap3A_172], %or3A_171 masked %and3A {strides = array<i32>} : memref<16400xi32, #tpu.memory_space<vmem>>, vector<16xi32>, vector<16xi1>
      %all_reduce_population_count3A = tpu.all_reduce %and3A {dim = 0 : i64, kind = #tpu.reduction_kind<sum>} : vector<16xi1> -> vector<16xi32>
      %slice3A_174 = vector.extract_strided_slice %all_reduce_population_count3A {offsets = [0], sizes = [1], strides = [1]} : vector<16xi32> to vector<1xi32>
      %squeeze3A_175 = vector.extract %slice3A_174[0] : i32 from vector<1xi32>
      %add3A_176 = arith.addi %scan3A_137, %squeeze3A_175 : i32
      scf.yield %add3A_176 : i32
    }
    %scan3A_26 = arith.constant 1024 : i32
    %swap3A = arith.constant 0 : index
    %swap3A_27 = tpu.vector_load %arg8[%swap3A] {strides = array<i32>} : memref<80xi32, #tpu.memory_space<vmem>>, vector<16xi32>,
    tpu.vector_store %arg8[%swap3A], %broadcast_in_dim3A_11 {strides = array<i32>} : memref<80xi32, #tpu.memory_space<vmem>>, vector<16xi32>,
    %swap3A_28 = arith.constant 16 : index
    %swap3A_29 = tpu.vector_load %arg8[%swap3A_28] {strides = array<i32>} : memref<80xi32, #tpu.memory_space<vmem>>, vector<16xi32>,
    tpu.vector_store %arg8[%swap3A_28], %broadcast_in_dim3A_11 {strides = array<i32>} : memref<80xi32, #tpu.memory_space<vmem>>, vector<16xi32>,
    %swap3A_30 = arith.constant 32 : index
    %swap3A_31 = tpu.vector_load %arg8[%swap3A_30] {strides = array<i32>} : memref<80xi32, #tpu.memory_space<vmem>>, vector<16xi32>,
    tpu.vector_store %arg8[%swap3A_30], %broadcast_in_dim3A_11 {strides = array<i32>} : memref<80xi32, #tpu.memory_space<vmem>>, vector<16xi32>,
    %swap3A_32 = arith.constant 48 : index
    %swap3A_33 = tpu.vector_load %arg8[%swap3A_32] {strides = array<i32>} : memref<80xi32, #tpu.memory_space<vmem>>, vector<16xi32>,
    tpu.vector_store %arg8[%swap3A_32], %broadcast_in_dim3A_11 {strides = array<i32>} : memref<80xi32, #tpu.memory_space<vmem>>, vector<16xi32>,
    %swap3A_34 = arith.constant 64 : index
    %swap3A_35 = tpu.vector_load %arg8[%swap3A_34] {strides = array<i32>} : memref<80xi32, #tpu.memory_space<vmem>>, vector<16xi32>,
    tpu.vector_store %arg8[%swap3A_34], %broadcast_in_dim3A_11 {strides = array<i32>} : memref<80xi32, #tpu.memory_space<vmem>>, vector<16xi32>,
    %while3A = arith.constant 0 : i32
    %while3A_36 = arith.constant 0 : i32
    %while3A_37 = arith.subi %scan3A_25, %while3A_36 : i32
    %while3A_38 = arith.addi %while3A_36, %while3A_37 : i32
    %while3A_39 = arith.constant 1 : i32
    %while3A_40 = arith.divsi %while3A_37, %while3A_39 : i32
    %while3A_41 = arith.muli %while3A_40, %while3A_39 : i32
    %while3A_42 = arith.addi %while3A_36, %while3A_41 : i32
    %while3A_43 = arith.constant 1 : i32
    scf.for %while3A_136 = %while3A_36 to %while3A_42 step %while3A_43  : i32 {
      %get3A_137 = arith.index_cast %while3A_136 : i32 to index
      %get3A_138 = tpu.vector_load %arg6[%get3A_137] {strides = array<i32>} : memref<16400xi32, #tpu.memory_space<vmem>>, vector<16xi32>,
      %slice3A_139 = vector.extract_strided_slice %get3A_138 {offsets = [0], sizes = [1], strides = [1]} : vector<16xi32> to vector<1xi32>
      %squeeze3A_140 = vector.extract %slice3A_139[0] : i32 from vector<1xi32>
      %shift_right_arithmetic3A = arith.constant 23 : i32
      %shift_right_arithmetic3A_141 = arith.shrsi %squeeze3A_140, %shift_right_arithmetic3A : i32
      %add3A_142 = vector.broadcast %shift_right_arithmetic3A_141 : i32 to vector<16xi32>
      %add3A_143 = arith.addi %broadcast_in_dim3A_11, %add3A_142 : vector<16xi32>
      %gather3A = tpu.vector_load_idx %arg8[%add3A_143] : memref<80xi32, #tpu.memory_space<vmem>>[vector<16xi32>], vector<16xi32>,
      %add3A_144 = arith.constant 1 : i32
      %add3A_145 = vector.broadcast %add3A_144 : i32 to vector<16xi32>
      %add3A_146 = arith.addi %gather3A, %add3A_145 : vector<16xi32>
      tpu.vector_store_idx %arg8[%add3A_143], %add3A_146 masked %eq3A_14 : memref<80xi32, #tpu.memory_space<vmem>>[vector<16xi32>], vector<16xi32>, vector<16xi1>
    }
    %while3A_44 = arith.constant 1 : i32
    scf.for %while3A_136 = %while3A_42 to %while3A_38 step %while3A_44  : i32 {
      %get3A_137 = arith.index_cast %while3A_136 : i32 to index
      %get3A_138 = tpu.vector_load %arg6[%get3A_137] {strides = array<i32>} : memref<16400xi32, #tpu.memory_space<vmem>>, vector<16xi32>,
      %slice3A_139 = vector.extract_strided_slice %get3A_138 {offsets = [0], sizes = [1], strides = [1]} : vector<16xi32> to vector<1xi32>
      %squeeze3A_140 = vector.extract %slice3A_139[0] : i32 from vector<1xi32>
      %shift_right_arithmetic3A = arith.constant 23 : i32
      %shift_right_arithmetic3A_141 = arith.shrsi %squeeze3A_140, %shift_right_arithmetic3A : i32
      %add3A_142 = vector.broadcast %shift_right_arithmetic3A_141 : i32 to vector<16xi32>
      %add3A_143 = arith.addi %broadcast_in_dim3A_11, %add3A_142 : vector<16xi32>
      %gather3A = tpu.vector_load_idx %arg8[%add3A_143] : memref<80xi32, #tpu.memory_space<vmem>>[vector<16xi32>], vector<16xi32>,
      %add3A_144 = arith.constant 1 : i32
      %add3A_145 = vector.broadcast %add3A_144 : i32 to vector<16xi32>
      %add3A_146 = arith.addi %gather3A, %add3A_145 : vector<16xi32>
      tpu.vector_store_idx %arg8[%add3A_143], %add3A_146 masked %eq3A_14 : memref<80xi32, #tpu.memory_space<vmem>>[vector<16xi32>], vector<16xi32>, vector<16xi1>
    }
    %get3A = arith.constant 0 : index
    %get3A_45 = tpu.vector_load %arg8[%get3A] {strides = array<i32>} : memref<80xi32, #tpu.memory_space<vmem>>, vector<16xi32>,
    %broadcast_in_dim3A_46 = arith.constant true
    %broadcast_in_dim3A_47 = vector.broadcast %broadcast_in_dim3A_46 : i1 to vector<16xi1>
    %masked_cumsum3A = tpu.scan <sum>, %get3A_45 masked %broadcast_in_dim3A_47 : vector<16xi32>, vector<16xi1> -> vector<16xi32>
    %sub3A = arith.subi %masked_cumsum3A, %get3A_45 : vector<16xi32>
    %add3A_48 = arith.constant 0 : i32
    %add3A_49 = vector.broadcast %add3A_48 : i32 to vector<16xi32>
    %add3A_50 = arith.addi %sub3A, %add3A_49 : vector<16xi32>
    %swap3A_51 = arith.constant 0 : index
    %swap3A_52 = tpu.vector_load %arg9[%swap3A_51] {strides = array<i32>} : memref<80xi32, #tpu.memory_space<vmem>>, vector<16xi32>,
    tpu.vector_store %arg9[%swap3A_51], %add3A_50 {strides = array<i32>} : memref<80xi32, #tpu.memory_space<vmem>>, vector<16xi32>,
    %swap3A_53 = arith.constant 0 : index
    %swap3A_54 = tpu.vector_load %arg10[%swap3A_53] {strides = array<i32>} : memref<80xi32, #tpu.memory_space<vmem>>, vector<16xi32>,
    tpu.vector_store %arg10[%swap3A_53], %add3A_50 {strides = array<i32>} : memref<80xi32, #tpu.memory_space<vmem>>, vector<16xi32>,
    %slice3A = vector.extract_strided_slice %masked_cumsum3A {offsets = [15], sizes = [1], strides = [1]} : vector<16xi32> to vector<1xi32>
    %squeeze3A = vector.extract %slice3A[0] : i32 from vector<1xi32>
    %add3A_55 = arith.constant 0 : i32
    %add3A_56 = arith.addi %add3A_55, %squeeze3A : i32
    %get3A_57 = arith.constant 16 : index
    %get3A_58 = tpu.vector_load %arg8[%get3A_57] {strides = array<i32>} : memref<80xi32, #tpu.memory_space<vmem>>, vector<16xi32>,
    %broadcast_in_dim3A_59 = arith.constant true
    %broadcast_in_dim3A_60 = vector.broadcast %broadcast_in_dim3A_59 : i1 to vector<16xi1>
    %masked_cumsum3A_61 = tpu.scan <sum>, %get3A_58 masked %broadcast_in_dim3A_60 : vector<16xi32>, vector<16xi1> -> vector<16xi32>
    %sub3A_62 = arith.subi %masked_cumsum3A_61, %get3A_58 : vector<16xi32>
    %add3A_63 = vector.broadcast %add3A_56 : i32 to vector<16xi32>
    %add3A_64 = arith.addi %sub3A_62, %add3A_63 : vector<16xi32>
    %swap3A_65 = arith.constant 16 : index
    %swap3A_66 = tpu.vector_load %arg9[%swap3A_65] {strides = array<i32>} : memref<80xi32, #tpu.memory_space<vmem>>, vector<16xi32>,
    tpu.vector_store %arg9[%swap3A_65], %add3A_64 {strides = array<i32>} : memref<80xi32, #tpu.memory_space<vmem>>, vector<16xi32>,
    %swap3A_67 = arith.constant 16 : index
    %swap3A_68 = tpu.vector_load %arg10[%swap3A_67] {strides = array<i32>} : memref<80xi32, #tpu.memory_space<vmem>>, vector<16xi32>,
    tpu.vector_store %arg10[%swap3A_67], %add3A_64 {strides = array<i32>} : memref<80xi32, #tpu.memory_space<vmem>>, vector<16xi32>,
    %slice3A_69 = vector.extract_strided_slice %masked_cumsum3A_61 {offsets = [15], sizes = [1], strides = [1]} : vector<16xi32> to vector<1xi32>
    %squeeze3A_70 = vector.extract %slice3A_69[0] : i32 from vector<1xi32>
    %add3A_71 = arith.addi %add3A_56, %squeeze3A_70 : i32
    %get3A_72 = arith.constant 32 : index
    %get3A_73 = tpu.vector_load %arg8[%get3A_72] {strides = array<i32>} : memref<80xi32, #tpu.memory_space<vmem>>, vector<16xi32>,
    %broadcast_in_dim3A_74 = arith.constant true
    %broadcast_in_dim3A_75 = vector.broadcast %broadcast_in_dim3A_74 : i1 to vector<16xi1>
    %masked_cumsum3A_76 = tpu.scan <sum>, %get3A_73 masked %broadcast_in_dim3A_75 : vector<16xi32>, vector<16xi1> -> vector<16xi32>
    %sub3A_77 = arith.subi %masked_cumsum3A_76, %get3A_73 : vector<16xi32>
    %add3A_78 = vector.broadcast %add3A_71 : i32 to vector<16xi32>
    %add3A_79 = arith.addi %sub3A_77, %add3A_78 : vector<16xi32>
    %swap3A_80 = arith.constant 32 : index
    %swap3A_81 = tpu.vector_load %arg9[%swap3A_80] {strides = array<i32>} : memref<80xi32, #tpu.memory_space<vmem>>, vector<16xi32>,
    tpu.vector_store %arg9[%swap3A_80], %add3A_79 {strides = array<i32>} : memref<80xi32, #tpu.memory_space<vmem>>, vector<16xi32>,
    %swap3A_82 = arith.constant 32 : index
    %swap3A_83 = tpu.vector_load %arg10[%swap3A_82] {strides = array<i32>} : memref<80xi32, #tpu.memory_space<vmem>>, vector<16xi32>,
    tpu.vector_store %arg10[%swap3A_82], %add3A_79 {strides = array<i32>} : memref<80xi32, #tpu.memory_space<vmem>>, vector<16xi32>,
    %slice3A_84 = vector.extract_strided_slice %masked_cumsum3A_76 {offsets = [15], sizes = [1], strides = [1]} : vector<16xi32> to vector<1xi32>
    %squeeze3A_85 = vector.extract %slice3A_84[0] : i32 from vector<1xi32>
    %add3A_86 = arith.addi %add3A_71, %squeeze3A_85 : i32
    %get3A_87 = arith.constant 48 : index
    %get3A_88 = tpu.vector_load %arg8[%get3A_87] {strides = array<i32>} : memref<80xi32, #tpu.memory_space<vmem>>, vector<16xi32>,
    %broadcast_in_dim3A_89 = arith.constant true
    %broadcast_in_dim3A_90 = vector.broadcast %broadcast_in_dim3A_89 : i1 to vector<16xi1>
    %masked_cumsum3A_91 = tpu.scan <sum>, %get3A_88 masked %broadcast_in_dim3A_90 : vector<16xi32>, vector<16xi1> -> vector<16xi32>
    %sub3A_92 = arith.subi %masked_cumsum3A_91, %get3A_88 : vector<16xi32>
    %add3A_93 = vector.broadcast %add3A_86 : i32 to vector<16xi32>
    %add3A_94 = arith.addi %sub3A_92, %add3A_93 : vector<16xi32>
    %swap3A_95 = arith.constant 48 : index
    %swap3A_96 = tpu.vector_load %arg9[%swap3A_95] {strides = array<i32>} : memref<80xi32, #tpu.memory_space<vmem>>, vector<16xi32>,
    tpu.vector_store %arg9[%swap3A_95], %add3A_94 {strides = array<i32>} : memref<80xi32, #tpu.memory_space<vmem>>, vector<16xi32>,
    %swap3A_97 = arith.constant 48 : index
    %swap3A_98 = tpu.vector_load %arg10[%swap3A_97] {strides = array<i32>} : memref<80xi32, #tpu.memory_space<vmem>>, vector<16xi32>,
    tpu.vector_store %arg10[%swap3A_97], %add3A_94 {strides = array<i32>} : memref<80xi32, #tpu.memory_space<vmem>>, vector<16xi32>,
    %slice3A_99 = vector.extract_strided_slice %masked_cumsum3A_91 {offsets = [15], sizes = [1], strides = [1]} : vector<16xi32> to vector<1xi32>
    %squeeze3A_100 = vector.extract %slice3A_99[0] : i32 from vector<1xi32>
    %add3A_101 = arith.addi %add3A_86, %squeeze3A_100 : i32
    %while3A_102 = arith.constant 0 : i32
    %while3A_103 = arith.constant 0 : i32
    %while3A_104 = arith.subi %scan3A_25, %while3A_103 : i32
    %while3A_105 = arith.addi %while3A_103, %while3A_104 : i32
    %while3A_106 = arith.constant 1 : i32
    %while3A_107 = arith.divsi %while3A_104, %while3A_106 : i32
    %while3A_108 = arith.muli %while3A_107, %while3A_106 : i32
    %while3A_109 = arith.addi %while3A_103, %while3A_108 : i32
    %while3A_110 = arith.constant 1 : i32
    scf.for %while3A_136 = %while3A_103 to %while3A_109 step %while3A_110  : i32 {
      %get3A_137 = arith.index_cast %while3A_136 : i32 to index
      %get3A_138 = tpu.vector_load %arg6[%get3A_137] {strides = array<i32>} : memref<16400xi32, #tpu.memory_space<vmem>>, vector<16xi32>,
      %slice3A_139 = vector.extract_strided_slice %get3A_138 {offsets = [0], sizes = [1], strides = [1]} : vector<16xi32> to vector<1xi32>
      %squeeze3A_140 = vector.extract %slice3A_139[0] : i32 from vector<1xi32>
      %shift_right_arithmetic3A = arith.constant 23 : i32
      %shift_right_arithmetic3A_141 = arith.shrsi %squeeze3A_140, %shift_right_arithmetic3A : i32
      %add3A_142 = vector.broadcast %shift_right_arithmetic3A_141 : i32 to vector<16xi32>
      %add3A_143 = arith.addi %broadcast_in_dim3A_11, %add3A_142 : vector<16xi32>
      %gather3A = tpu.vector_load_idx %arg10[%add3A_143] : memref<80xi32, #tpu.memory_space<vmem>>[vector<16xi32>], vector<16xi32>,
      %add3A_144 = vector.broadcast %squeeze3A_140 : i32 to vector<16xi32>
      %add3A_145 = arith.addi %broadcast_in_dim3A_11, %add3A_144 : vector<16xi32>
      tpu.vector_store_idx %arg7[%gather3A], %add3A_145 masked %eq3A_14 : memref<16400xi32, #tpu.memory_space<vmem>>[vector<16xi32>], vector<16xi32>, vector<16xi1>
      %add3A_146 = arith.constant 1 : i32
      %add3A_147 = vector.broadcast %add3A_146 : i32 to vector<16xi32>
      %add3A_148 = arith.addi %gather3A, %add3A_147 : vector<16xi32>
      tpu.vector_store_idx %arg10[%add3A_143], %add3A_148 masked %eq3A_14 : memref<80xi32, #tpu.memory_space<vmem>>[vector<16xi32>], vector<16xi32>, vector<16xi1>
    }
    %while3A_111 = arith.constant 1 : i32
    scf.for %while3A_136 = %while3A_109 to %while3A_105 step %while3A_111  : i32 {
      %get3A_137 = arith.index_cast %while3A_136 : i32 to index
      %get3A_138 = tpu.vector_load %arg6[%get3A_137] {strides = array<i32>} : memref<16400xi32, #tpu.memory_space<vmem>>, vector<16xi32>,
      %slice3A_139 = vector.extract_strided_slice %get3A_138 {offsets = [0], sizes = [1], strides = [1]} : vector<16xi32> to vector<1xi32>
      %squeeze3A_140 = vector.extract %slice3A_139[0] : i32 from vector<1xi32>
      %shift_right_arithmetic3A = arith.constant 23 : i32
      %shift_right_arithmetic3A_141 = arith.shrsi %squeeze3A_140, %shift_right_arithmetic3A : i32
      %add3A_142 = vector.broadcast %shift_right_arithmetic3A_141 : i32 to vector<16xi32>
      %add3A_143 = arith.addi %broadcast_in_dim3A_11, %add3A_142 : vector<16xi32>
      %gather3A = tpu.vector_load_idx %arg10[%add3A_143] : memref<80xi32, #tpu.memory_space<vmem>>[vector<16xi32>], vector<16xi32>,
      %add3A_144 = vector.broadcast %squeeze3A_140 : i32 to vector<16xi32>
      %add3A_145 = arith.addi %broadcast_in_dim3A_11, %add3A_144 : vector<16xi32>
      tpu.vector_store_idx %arg7[%gather3A], %add3A_145 masked %eq3A_14 : memref<16400xi32, #tpu.memory_space<vmem>>[vector<16xi32>], vector<16xi32>, vector<16xi1>
      %add3A_146 = arith.constant 1 : i32
      %add3A_147 = vector.broadcast %add3A_146 : i32 to vector<16xi32>
      %add3A_148 = arith.addi %gather3A, %add3A_147 : vector<16xi32>
      tpu.vector_store_idx %arg10[%add3A_143], %add3A_148 masked %eq3A_14 : memref<80xi32, #tpu.memory_space<vmem>>[vector<16xi32>], vector<16xi32>, vector<16xi1>
    }
    %while3A_112 = arith.constant 0 : i32
    %while3A_113 = arith.constant 0 : i32
    %while3A_114 = arith.subi %add3A_10, %while3A_112 : i32
    %while3A_115 = arith.addi %while3A_112, %while3A_114 : i32
    %while3A_116 = arith.constant 1 : i32
    %while3A_117 = arith.divsi %while3A_114, %while3A_116 : i32
    %while3A_118 = arith.muli %while3A_117, %while3A_116 : i32
    %while3A_119 = arith.addi %while3A_112, %while3A_118 : i32
    %while3A_120 = arith.constant 1 : i32
    %while3A_121 = scf.for %while3A_136 = %while3A_112 to %while3A_119 step %while3A_120 iter_args(%while3A_137 = %while3A_113) -> (i32)  : i32 {
      %and3A = arith.constant 1 : i32
      %and3A_138 = arith.andi %while3A_136, %and3A : i32
      %dma_wait3A = arith.constant 0 : i32
      %dma_wait3A_139 = arith.constant 0 : i32
      %dma_wait3A_140 = tpu.memref_slice %arg11[%and3A_138, %dma_wait3A, %dma_wait3A_139] : memref<2x64x512xf32, #tpu.memory_space<vmem>> -> memref<1x64x512xf32, #tpu.memory_space<vmem>>
      %dma_wait3A_141 = tpu.memref_squeeze %dma_wait3A_140 : memref<1x64x512xf32, #tpu.memory_space<vmem>> -> memref<64x512xf32, #tpu.memory_space<vmem>>
      %dma_wait3A_142 = arith.constant 0 : i32
      %dma_wait3A_143 = arith.constant 0 : i32
      %dma_wait3A_144 = tpu.memref_slice %arg3[%dma_wait3A_142, %dma_wait3A_143] : memref<64x1000000xf32, #tpu.memory_space<hbm>> -> memref<64x512xf32, #tpu.memory_space<hbm>>
      %dma_wait3A_145 = arith.constant 0 : i32
      %dma_wait3A_146 = arith.constant 0 : i32
      %dma_wait3A_147 = tpu.memref_slice %arg11[%and3A_138, %dma_wait3A_145, %dma_wait3A_146] : memref<2x64x512xf32, #tpu.memory_space<vmem>> -> memref<1x64x512xf32, #tpu.memory_space<vmem>>
      %dma_wait3A_148 = tpu.memref_squeeze %dma_wait3A_147 : memref<1x64x512xf32, #tpu.memory_space<vmem>> -> memref<64x512xf32, #tpu.memory_space<vmem>>
      %dma_wait3A_149 = arith.constant 0 : i32
      %dma_wait3A_150 = arith.constant 0 : i32
      %dma_wait3A_151 = tpu.memref_slice %arg3[%dma_wait3A_149, %dma_wait3A_150] : memref<64x1000000xf32, #tpu.memory_space<hbm>> -> memref<64x512xf32, #tpu.memory_space<hbm>>
      tpu.wait_dma2 semaphore(%arg13 : memref<!tpu.dma_semaphore, #tpu.memory_space<semaphore_mem>>) src(%dma_wait3A_151 : memref<64x512xf32, #tpu.memory_space<hbm>>) dst(%dma_wait3A_148 : memref<64x512xf32, #tpu.memory_space<vmem>>)
      %get3A_152 = arith.index_cast %while3A_136 : i32 to index
      %get3A_153 = tpu.vector_load %arg9[%get3A_152] {strides = array<i32>} : memref<80xi32, #tpu.memory_space<vmem>>, vector<16xi32>,
      %slice3A_154 = vector.extract_strided_slice %get3A_153 {offsets = [0], sizes = [1], strides = [1]} : vector<16xi32> to vector<1xi32>
      %squeeze3A_155 = vector.extract %slice3A_154[0] : i32 from vector<1xi32>
      %get3A_156 = arith.index_cast %while3A_136 : i32 to index
      %get3A_157 = tpu.vector_load %arg8[%get3A_156] {strides = array<i32>} : memref<80xi32, #tpu.memory_space<vmem>>, vector<16xi32>,
      %slice3A_158 = vector.extract_strided_slice %get3A_157 {offsets = [0], sizes = [1], strides = [1]} : vector<16xi32> to vector<1xi32>
      %squeeze3A_159 = vector.extract %slice3A_158[0] : i32 from vector<1xi32>
      %add3A_160 = vector.broadcast %and3A_138 : i32 to vector<16xi32>
      %add3A_161 = arith.addi %broadcast_in_dim3A_11, %add3A_160 : vector<16xi32>
      %add3A_162 = arith.addi %squeeze3A_155, %squeeze3A_159 : i32
      %while3A_163 = arith.subi %add3A_162, %squeeze3A_155 : i32
      %while3A_164 = arith.addi %squeeze3A_155, %while3A_163 : i32
      %while3A_165 = arith.constant 1 : i32
      %while3A_166 = arith.divsi %while3A_163, %while3A_165 : i32
      %while3A_167 = arith.muli %while3A_166, %while3A_165 : i32
      %while3A_168 = arith.addi %squeeze3A_155, %while3A_167 : i32
      %while3A_169 = arith.constant 1 : i32
      %while3A_170 = scf.for %while3A_178 = %squeeze3A_155 to %while3A_168 step %while3A_169 iter_args(%while3A_179 = %while3A_137) -> (i32)  : i32 {
        %get3A_180 = arith.index_cast %while3A_178 : i32 to index
        %get3A_181 = tpu.vector_load %arg7[%get3A_180] {strides = array<i32>} : memref<16400xi32, #tpu.memory_space<vmem>>, vector<16xi32>,
        %slice3A_182 = vector.extract_strided_slice %get3A_181 {offsets = [0], sizes = [1], strides = [1]} : vector<16xi32> to vector<1xi32>
        %squeeze3A_183 = vector.extract %slice3A_182[0] : i32 from vector<1xi32>
        %and3A_184 = arith.constant 16383 : i32
        %and3A_185 = arith.andi %squeeze3A_183, %and3A_184 : i32
        %shift_right_arithmetic3A = arith.constant 14 : i32
        %shift_right_arithmetic3A_186 = arith.shrsi %squeeze3A_183, %shift_right_arithmetic3A : i32
        %and3A_187 = arith.constant 511 : i32
        %and3A_188 = arith.andi %shift_right_arithmetic3A_186, %and3A_187 : i32
        %add3A_189 = vector.broadcast %and3A_188 : i32 to vector<16xi32>
        %add3A_190 = arith.addi %broadcast_in_dim3A_11, %add3A_189 : vector<16xi32>
        %and3A_191 = arith.constant 15 : i32
        %and3A_192 = arith.andi %while3A_179, %and3A_191 : i32
        %ge3A = arith.constant 16 : i32
        %ge3A_193 = arith.cmpi sge, %while3A_179, %ge3A : i32
        %convert_element_type3A_194 = arith.extui %ge3A_193 : i1 to i32
        %cond3A_195 = arith.constant 0 : i32
        %cond3A_196 = arith.cmpi ne, %convert_element_type3A_194, %cond3A_195 : i32
        scf.if %cond3A_196 {
          %dma_wait3A_237 = arith.constant 0 : i32
          %dma_wait3A_238 = arith.constant 0 : i32
          %dma_wait3A_239 = tpu.memref_slice %arg12[%and3A_192, %dma_wait3A_238] : memref<16x64xf32, #tpu.memory_space<vmem>> -> memref<1x64xf32, #tpu.memory_space<vmem>>
          %dma_wait3A_240 = tpu.memref_squeeze %dma_wait3A_239 : memref<1x64xf32, #tpu.memory_space<vmem>> -> memref<64xf32, #tpu.memory_space<vmem>>
          %dma_wait3A_241 = arith.constant 0 : i32
          %dma_wait3A_242 = tpu.memref_slice %arg4[%dma_wait3A_237, %dma_wait3A_241] : memref<16384x64xf32, #tpu.memory_space<hbm>> -> memref<1x64xf32, #tpu.memory_space<hbm>>
          %dma_wait3A_243 = tpu.memref_squeeze %dma_wait3A_242 : memref<1x64xf32, #tpu.memory_space<hbm>> -> memref<64xf32, #tpu.memory_space<hbm>>
          %dma_wait3A_244 = arith.constant 0 : i32
          %dma_wait3A_245 = tpu.memref_slice %arg12[%and3A_192, %dma_wait3A_244] : memref<16x64xf32, #tpu.memory_space<vmem>> -> memref<1x64xf32, #tpu.memory_space<vmem>>
          %dma_wait3A_246 = tpu.memref_squeeze %dma_wait3A_245 : memref<1x64xf32, #tpu.memory_space<vmem>> -> memref<64xf32, #tpu.memory_space<vmem>>
          %dma_wait3A_247 = arith.constant 0 : i32
          %dma_wait3A_248 = tpu.memref_slice %arg4[%dma_wait3A_237, %dma_wait3A_247] : memref<16384x64xf32, #tpu.memory_space<hbm>> -> memref<1x64xf32, #tpu.memory_space<hbm>>
          %dma_wait3A_249 = tpu.memref_squeeze %dma_wait3A_248 : memref<1x64xf32, #tpu.memory_space<hbm>> -> memref<64xf32, #tpu.memory_space<hbm>>
          tpu.wait_dma2 semaphore(%arg14 : memref<!tpu.dma_semaphore, #tpu.memory_space<semaphore_mem>>) src(%dma_wait3A_249 : memref<64xf32, #tpu.memory_space<hbm>>) dst(%dma_wait3A_246 : memref<64xf32, #tpu.memory_space<vmem>>)
        } else {
        }
        %add3A_197 = arith.constant 0 : i32
        %add3A_198 = vector.broadcast %add3A_197 : i32 to vector<16xi32>
        %add3A_199 = arith.addi %iota3A, %add3A_198 : vector<16xi32>
        %gather3A = tpu.vector_load_idx %arg11[%add3A_161, %add3A_199, %add3A_190] : memref<2x64x512xf32, #tpu.memory_space<vmem>>[vector<16xi32>, vector<16xi32>, vector<16xi32>], vector<16xf32>,
        %swap3A_200 = arith.index_cast %and3A_192 : i32 to index
        %swap3A_201 = arith.constant 0 : index
        %swap3A_202 = tpu.vector_load %arg12[%swap3A_200, %swap3A_201] {strides = array<i32>} : memref<16x64xf32, #tpu.memory_space<vmem>>, vector<16xf32>,
        tpu.vector_store %arg12[%swap3A_200, %swap3A_201], %gather3A {strides = array<i32>} : memref<16x64xf32, #tpu.memory_space<vmem>>, vector<16xf32>,
        %add3A_203 = arith.constant 16 : i32
        %add3A_204 = vector.broadcast %add3A_203 : i32 to vector<16xi32>
        %add3A_205 = arith.addi %iota3A, %add3A_204 : vector<16xi32>
        %gather3A_206 = tpu.vector_load_idx %arg11[%add3A_161, %add3A_205, %add3A_190] : memref<2x64x512xf32, #tpu.memory_space<vmem>>[vector<16xi32>, vector<16xi32>, vector<16xi32>], vector<16xf32>,
        %swap3A_207 = arith.index_cast %and3A_192 : i32 to index
        %swap3A_208 = arith.constant 16 : index
        %swap3A_209 = tpu.vector_load %arg12[%swap3A_207, %swap3A_208] {strides = array<i32>} : memref<16x64xf32, #tpu.memory_space<vmem>>, vector<16xf32>,
        tpu.vector_store %arg12[%swap3A_207, %swap3A_208], %gather3A_206 {strides = array<i32>} : memref<16x64xf32, #tpu.memory_space<vmem>>, vector<16xf32>,
        %add3A_210 = arith.constant 32 : i32
        %add3A_211 = vector.broadcast %add3A_210 : i32 to vector<16xi32>
        %add3A_212 = arith.addi %iota3A, %add3A_211 : vector<16xi32>
        %gather3A_213 = tpu.vector_load_idx %arg11[%add3A_161, %add3A_212, %add3A_190] : memref<2x64x512xf32, #tpu.memory_space<vmem>>[vector<16xi32>, vector<16xi32>, vector<16xi32>], vector<16xf32>,
        %swap3A_214 = arith.index_cast %and3A_192 : i32 to index
        %swap3A_215 = arith.constant 32 : index
        %swap3A_216 = tpu.vector_load %arg12[%swap3A_214, %swap3A_215] {strides = array<i32>} : memref<16x64xf32, #tpu.memory_space<vmem>>, vector<16xf32>,
        tpu.vector_store %arg12[%swap3A_214, %swap3A_215], %gather3A_213 {strides = array<i32>} : memref<16x64xf32, #tpu.memory_space<vmem>>, vector<16xf32>,
        %add3A_217 = arith.constant 48 : i32
        %add3A_218 = vector.broadcast %add3A_217 : i32 to vector<16xi32>
        %add3A_219 = arith.addi %iota3A, %add3A_218 : vector<16xi32>
        %gather3A_220 = tpu.vector_load_idx %arg11[%add3A_161, %add3A_219, %add3A_190] : memref<2x64x512xf32, #tpu.memory_space<vmem>>[vector<16xi32>, vector<16xi32>, vector<16xi32>], vector<16xf32>,
        %swap3A_221 = arith.index_cast %and3A_192 : i32 to index
        %swap3A_222 = arith.constant 48 : index
        %swap3A_223 = tpu.vector_load %arg12[%swap3A_221, %swap3A_222] {strides = array<i32>} : memref<16x64xf32, #tpu.memory_space<vmem>>, vector<16xf32>,
        tpu.vector_store %arg12[%swap3A_221, %swap3A_222], %gather3A_220 {strides = array<i32>} : memref<16x64xf32, #tpu.memory_space<vmem>>, vector<16xf32>,
        %dma_start3A = arith.constant 0 : i32
        %dma_start3A_224 = tpu.memref_slice %arg12[%and3A_192, %dma_start3A] : memref<16x64xf32, #tpu.memory_space<vmem>> -> memref<1x64xf32, #tpu.memory_space<vmem>>
        %dma_start3A_225 = tpu.memref_squeeze %dma_start3A_224 : memref<1x64xf32, #tpu.memory_space<vmem>> -> memref<64xf32, #tpu.memory_space<vmem>>
        %dma_start3A_226 = arith.constant 0 : i32
        %dma_start3A_227 = tpu.memref_slice %arg4[%and3A_185, %dma_start3A_226] : memref<16384x64xf32, #tpu.memory_space<hbm>> -> memref<1x64xf32, #tpu.memory_space<hbm>>
        %dma_start3A_228 = tpu.memref_squeeze %dma_start3A_227 : memref<1x64xf32, #tpu.memory_space<hbm>> -> memref<64xf32, #tpu.memory_space<hbm>>
        %dma_start3A_229 = arith.constant 0 : i32
        %dma_start3A_230 = tpu.memref_slice %arg4[%and3A_185, %dma_start3A_229] : memref<16384x64xf32, #tpu.memory_space<hbm>> -> memref<1x64xf32, #tpu.memory_space<hbm>>
        %dma_start3A_231 = tpu.memref_squeeze %dma_start3A_230 : memref<1x64xf32, #tpu.memory_space<hbm>> -> memref<64xf32, #tpu.memory_space<hbm>>
        %dma_start3A_232 = arith.constant 0 : i32
        %dma_start3A_233 = tpu.memref_slice %arg12[%and3A_192, %dma_start3A_232] : memref<16x64xf32, #tpu.memory_space<vmem>> -> memref<1x64xf32, #tpu.memory_space<vmem>>
        %dma_start3A_234 = tpu.memref_squeeze %dma_start3A_233 : memref<1x64xf32, #tpu.memory_space<vmem>> -> memref<64xf32, #tpu.memory_space<vmem>>
        tpu.enqueue_dma source(%dma_start3A_234 : memref<64xf32, #tpu.memory_space<vmem>>) target(%dma_start3A_231 : memref<64xf32, #tpu.memory_space<hbm>>) target_semaphore(%arg14 : memref<!tpu.dma_semaphore, #tpu.memory_space<semaphore_mem>>)
        %add3A_235 = arith.constant 1 : i32
        %add3A_236 = arith.addi %while3A_179, %add3A_235 : i32
        scf.yield %add3A_236 : i32
      }
      %while3A_171 = arith.constant 1 : i32
      %while3A_172 = scf.for %while3A_178 = %while3A_168 to %while3A_164 step %while3A_171 iter_args(%while3A_179 = %while3A_170) -> (i32)  : i32 {
        %get3A_180 = arith.index_cast %while3A_178 : i32 to index
        %get3A_181 = tpu.vector_load %arg7[%get3A_180] {strides = array<i32>} : memref<16400xi32, #tpu.memory_space<vmem>>, vector<16xi32>,
        %slice3A_182 = vector.extract_strided_slice %get3A_181 {offsets = [0], sizes = [1], strides = [1]} : vector<16xi32> to vector<1xi32>
        %squeeze3A_183 = vector.extract %slice3A_182[0] : i32 from vector<1xi32>
        %and3A_184 = arith.constant 16383 : i32
        %and3A_185 = arith.andi %squeeze3A_183, %and3A_184 : i32
        %shift_right_arithmetic3A = arith.constant 14 : i32
        %shift_right_arithmetic3A_186 = arith.shrsi %squeeze3A_183, %shift_right_arithmetic3A : i32
        %and3A_187 = arith.constant 511 : i32
        %and3A_188 = arith.andi %shift_right_arithmetic3A_186, %and3A_187 : i32
        %add3A_189 = vector.broadcast %and3A_188 : i32 to vector<16xi32>
        %add3A_190 = arith.addi %broadcast_in_dim3A_11, %add3A_189 : vector<16xi32>
        %and3A_191 = arith.constant 15 : i32
        %and3A_192 = arith.andi %while3A_179, %and3A_191 : i32
        %ge3A = arith.constant 16 : i32
        %ge3A_193 = arith.cmpi sge, %while3A_179, %ge3A : i32
        %convert_element_type3A_194 = arith.extui %ge3A_193 : i1 to i32
        %cond3A_195 = arith.constant 0 : i32
        %cond3A_196 = arith.cmpi ne, %convert_element_type3A_194, %cond3A_195 : i32
        scf.if %cond3A_196 {
          %dma_wait3A_237 = arith.constant 0 : i32
          %dma_wait3A_238 = arith.constant 0 : i32
          %dma_wait3A_239 = tpu.memref_slice %arg12[%and3A_192, %dma_wait3A_238] : memref<16x64xf32, #tpu.memory_space<vmem>> -> memref<1x64xf32, #tpu.memory_space<vmem>>
          %dma_wait3A_240 = tpu.memref_squeeze %dma_wait3A_239 : memref<1x64xf32, #tpu.memory_space<vmem>> -> memref<64xf32, #tpu.memory_space<vmem>>
          %dma_wait3A_241 = arith.constant 0 : i32
          %dma_wait3A_242 = tpu.memref_slice %arg4[%dma_wait3A_237, %dma_wait3A_241] : memref<16384x64xf32, #tpu.memory_space<hbm>> -> memref<1x64xf32, #tpu.memory_space<hbm>>
          %dma_wait3A_243 = tpu.memref_squeeze %dma_wait3A_242 : memref<1x64xf32, #tpu.memory_space<hbm>> -> memref<64xf32, #tpu.memory_space<hbm>>
          %dma_wait3A_244 = arith.constant 0 : i32
          %dma_wait3A_245 = tpu.memref_slice %arg12[%and3A_192, %dma_wait3A_244] : memref<16x64xf32, #tpu.memory_space<vmem>> -> memref<1x64xf32, #tpu.memory_space<vmem>>
          %dma_wait3A_246 = tpu.memref_squeeze %dma_wait3A_245 : memref<1x64xf32, #tpu.memory_space<vmem>> -> memref<64xf32, #tpu.memory_space<vmem>>
          %dma_wait3A_247 = arith.constant 0 : i32
          %dma_wait3A_248 = tpu.memref_slice %arg4[%dma_wait3A_237, %dma_wait3A_247] : memref<16384x64xf32, #tpu.memory_space<hbm>> -> memref<1x64xf32, #tpu.memory_space<hbm>>
          %dma_wait3A_249 = tpu.memref_squeeze %dma_wait3A_248 : memref<1x64xf32, #tpu.memory_space<hbm>> -> memref<64xf32, #tpu.memory_space<hbm>>
          tpu.wait_dma2 semaphore(%arg14 : memref<!tpu.dma_semaphore, #tpu.memory_space<semaphore_mem>>) src(%dma_wait3A_249 : memref<64xf32, #tpu.memory_space<hbm>>) dst(%dma_wait3A_246 : memref<64xf32, #tpu.memory_space<vmem>>)
        } else {
        }
        %add3A_197 = arith.constant 0 : i32
        %add3A_198 = vector.broadcast %add3A_197 : i32 to vector<16xi32>
        %add3A_199 = arith.addi %iota3A, %add3A_198 : vector<16xi32>
        %gather3A = tpu.vector_load_idx %arg11[%add3A_161, %add3A_199, %add3A_190] : memref<2x64x512xf32, #tpu.memory_space<vmem>>[vector<16xi32>, vector<16xi32>, vector<16xi32>], vector<16xf32>,
        %swap3A_200 = arith.index_cast %and3A_192 : i32 to index
        %swap3A_201 = arith.constant 0 : index
        %swap3A_202 = tpu.vector_load %arg12[%swap3A_200, %swap3A_201] {strides = array<i32>} : memref<16x64xf32, #tpu.memory_space<vmem>>, vector<16xf32>,
        tpu.vector_store %arg12[%swap3A_200, %swap3A_201], %gather3A {strides = array<i32>} : memref<16x64xf32, #tpu.memory_space<vmem>>, vector<16xf32>,
        %add3A_203 = arith.constant 16 : i32
        %add3A_204 = vector.broadcast %add3A_203 : i32 to vector<16xi32>
        %add3A_205 = arith.addi %iota3A, %add3A_204 : vector<16xi32>
        %gather3A_206 = tpu.vector_load_idx %arg11[%add3A_161, %add3A_205, %add3A_190] : memref<2x64x512xf32, #tpu.memory_space<vmem>>[vector<16xi32>, vector<16xi32>, vector<16xi32>], vector<16xf32>,
        %swap3A_207 = arith.index_cast %and3A_192 : i32 to index
        %swap3A_208 = arith.constant 16 : index
        %swap3A_209 = tpu.vector_load %arg12[%swap3A_207, %swap3A_208] {strides = array<i32>} : memref<16x64xf32, #tpu.memory_space<vmem>>, vector<16xf32>,
        tpu.vector_store %arg12[%swap3A_207, %swap3A_208], %gather3A_206 {strides = array<i32>} : memref<16x64xf32, #tpu.memory_space<vmem>>, vector<16xf32>,
        %add3A_210 = arith.constant 32 : i32
        %add3A_211 = vector.broadcast %add3A_210 : i32 to vector<16xi32>
        %add3A_212 = arith.addi %iota3A, %add3A_211 : vector<16xi32>
        %gather3A_213 = tpu.vector_load_idx %arg11[%add3A_161, %add3A_212, %add3A_190] : memref<2x64x512xf32, #tpu.memory_space<vmem>>[vector<16xi32>, vector<16xi32>, vector<16xi32>], vector<16xf32>,
        %swap3A_214 = arith.index_cast %and3A_192 : i32 to index
        %swap3A_215 = arith.constant 32 : index
        %swap3A_216 = tpu.vector_load %arg12[%swap3A_214, %swap3A_215] {strides = array<i32>} : memref<16x64xf32, #tpu.memory_space<vmem>>, vector<16xf32>,
        tpu.vector_store %arg12[%swap3A_214, %swap3A_215], %gather3A_213 {strides = array<i32>} : memref<16x64xf32, #tpu.memory_space<vmem>>, vector<16xf32>,
        %add3A_217 = arith.constant 48 : i32
        %add3A_218 = vector.broadcast %add3A_217 : i32 to vector<16xi32>
        %add3A_219 = arith.addi %iota3A, %add3A_218 : vector<16xi32>
        %gather3A_220 = tpu.vector_load_idx %arg11[%add3A_161, %add3A_219, %add3A_190] : memref<2x64x512xf32, #tpu.memory_space<vmem>>[vector<16xi32>, vector<16xi32>, vector<16xi32>], vector<16xf32>,
        %swap3A_221 = arith.index_cast %and3A_192 : i32 to index
        %swap3A_222 = arith.constant 48 : index
        %swap3A_223 = tpu.vector_load %arg12[%swap3A_221, %swap3A_222] {strides = array<i32>} : memref<16x64xf32, #tpu.memory_space<vmem>>, vector<16xf32>,
        tpu.vector_store %arg12[%swap3A_221, %swap3A_222], %gather3A_220 {strides = array<i32>} : memref<16x64xf32, #tpu.memory_space<vmem>>, vector<16xf32>,
        %dma_start3A = arith.constant 0 : i32
        %dma_start3A_224 = tpu.memref_slice %arg12[%and3A_192, %dma_start3A] : memref<16x64xf32, #tpu.memory_space<vmem>> -> memref<1x64xf32, #tpu.memory_space<vmem>>
        %dma_start3A_225 = tpu.memref_squeeze %dma_start3A_224 : memref<1x64xf32, #tpu.memory_space<vmem>> -> memref<64xf32, #tpu.memory_space<vmem>>
        %dma_start3A_226 = arith.constant 0 : i32
        %dma_start3A_227 = tpu.memref_slice %arg4[%and3A_185, %dma_start3A_226] : memref<16384x64xf32, #tpu.memory_space<hbm>> -> memref<1x64xf32, #tpu.memory_space<hbm>>
        %dma_start3A_228 = tpu.memref_squeeze %dma_start3A_227 : memref<1x64xf32, #tpu.memory_space<hbm>> -> memref<64xf32, #tpu.memory_space<hbm>>
        %dma_start3A_229 = arith.constant 0 : i32
        %dma_start3A_230 = tpu.memref_slice %arg4[%and3A_185, %dma_start3A_229] : memref<16384x64xf32, #tpu.memory_space<hbm>> -> memref<1x64xf32, #tpu.memory_space<hbm>>
        %dma_start3A_231 = tpu.memref_squeeze %dma_start3A_230 : memref<1x64xf32, #tpu.memory_space<hbm>> -> memref<64xf32, #tpu.memory_space<hbm>>
        %dma_start3A_232 = arith.constant 0 : i32
        %dma_start3A_233 = tpu.memref_slice %arg12[%and3A_192, %dma_start3A_232] : memref<16x64xf32, #tpu.memory_space<vmem>> -> memref<1x64xf32, #tpu.memory_space<vmem>>
        %dma_start3A_234 = tpu.memref_squeeze %dma_start3A_233 : memref<1x64xf32, #tpu.memory_space<vmem>> -> memref<64xf32, #tpu.memory_space<vmem>>
        tpu.enqueue_dma source(%dma_start3A_234 : memref<64xf32, #tpu.memory_space<vmem>>) target(%dma_start3A_231 : memref<64xf32, #tpu.memory_space<hbm>>) target_semaphore(%arg14 : memref<!tpu.dma_semaphore, #tpu.memory_space<semaphore_mem>>)
        %add3A_235 = arith.constant 1 : i32
        %add3A_236 = arith.addi %while3A_179, %add3A_235 : i32
        scf.yield %add3A_236 : i32
      }
      %add3A_173 = arith.constant 2 : i32
      %add3A_174 = arith.addi %while3A_136, %add3A_173 : i32
      %lt3A = arith.cmpi slt, %add3A_174, %add3A_10 : i32
      %convert_element_type3A_175 = arith.extui %lt3A : i1 to i32
      %cond3A_176 = arith.constant 0 : i32
      %cond3A_177 = arith.cmpi ne, %convert_element_type3A_175, %cond3A_176 : i32
      scf.if %cond3A_177 {
        %add3A_178 = arith.constant 2 : i32
        %add3A_179 = arith.addi %while3A_136, %add3A_178 : i32
        %mul3A_180 = arith.constant 4 : i32
        %mul3A_181 = arith.muli %add3A_179, %mul3A_180 : i32
        %add3A_182 = arith.addi %mul3A_3, %mul3A_181 : i32
        %shift_left3A = arith.constant 7 : i32
        %shift_left3A_183 = arith.shli %add3A_182, %shift_left3A : i32
        %multiple_of3A = tpu.assume_multiple %shift_left3A_183, 128 : i32
        %and3A_184 = arith.constant 1 : i32
        %and3A_185 = arith.andi %add3A_179, %and3A_184 : i32
        %dma_start3A = arith.constant 0 : i32
        %dma_start3A_186 = arith.constant 0 : i32
        %dma_start3A_187 = tpu.memref_slice %arg11[%and3A_185, %dma_start3A, %dma_start3A_186] : memref<2x64x512xf32, #tpu.memory_space<vmem>> -> memref<1x64x512xf32, #tpu.memory_space<vmem>>
        %dma_start3A_188 = tpu.memref_squeeze %dma_start3A_187 : memref<1x64x512xf32, #tpu.memory_space<vmem>> -> memref<64x512xf32, #tpu.memory_space<vmem>>
        %dma_start3A_189 = arith.constant 0 : i32
        %dma_start3A_190 = tpu.memref_slice %arg3[%dma_start3A_189, %multiple_of3A] : memref<64x1000000xf32, #tpu.memory_space<hbm>> -> memref<64x512xf32, #tpu.memory_space<hbm>>
        %dma_start3A_191 = arith.constant 0 : i32
        %dma_start3A_192 = arith.constant 0 : i32
        %dma_start3A_193 = tpu.memref_slice %arg11[%and3A_185, %dma_start3A_191, %dma_start3A_192] : memref<2x64x512xf32, #tpu.memory_space<vmem>> -> memref<1x64x512xf32, #tpu.memory_space<vmem>>
        %dma_start3A_194 = tpu.memref_squeeze %dma_start3A_193 : memref<1x64x512xf32, #tpu.memory_space<vmem>> -> memref<64x512xf32, #tpu.memory_space<vmem>>
        %dma_start3A_195 = arith.constant 0 : i32
        %dma_start3A_196 = tpu.memref_slice %arg3[%dma_start3A_195, %multiple_of3A] : memref<64x1000000xf32, #tpu.memory_space<hbm>> -> memref<64x512xf32, #tpu.memory_space<hbm>>
        tpu.enqueue_dma source(%dma_start3A_196 : memref<64x512xf32, #tpu.memory_space<hbm>>) target(%dma_start3A_194 : memref<64x512xf32, #tpu.memory_space<vmem>>) target_semaphore(%arg13 : memref<!tpu.dma_semaphore, #tpu.memory_space<semaphore_mem>>)
      } else {
      }
      scf.yield %while3A_172 : i32
    }
    %while3A_122 = arith.constant 1 : i32
    %while3A_123 = scf.for %while3A_136 = %while3A_119 to %while3A_115 step %while3A_122 iter_args(%while3A_137 = %while3A_121) -> (i32)  : i32 {
      %and3A = arith.constant 1 : i32
      %and3A_138 = arith.andi %while3A_136, %and3A : i32
      %dma_wait3A = arith.constant 0 : i32
      %dma_wait3A_139 = arith.constant 0 : i32
      %dma_wait3A_140 = tpu.memref_slice %arg11[%and3A_138, %dma_wait3A, %dma_wait3A_139] : memref<2x64x512xf32, #tpu.memory_space<vmem>> -> memref<1x64x512xf32, #tpu.memory_space<vmem>>
      %dma_wait3A_141 = tpu.memref_squeeze %dma_wait3A_140 : memref<1x64x512xf32, #tpu.memory_space<vmem>> -> memref<64x512xf32, #tpu.memory_space<vmem>>
      %dma_wait3A_142 = arith.constant 0 : i32
      %dma_wait3A_143 = arith.constant 0 : i32
      %dma_wait3A_144 = tpu.memref_slice %arg3[%dma_wait3A_142, %dma_wait3A_143] : memref<64x1000000xf32, #tpu.memory_space<hbm>> -> memref<64x512xf32, #tpu.memory_space<hbm>>
      %dma_wait3A_145 = arith.constant 0 : i32
      %dma_wait3A_146 = arith.constant 0 : i32
      %dma_wait3A_147 = tpu.memref_slice %arg11[%and3A_138, %dma_wait3A_145, %dma_wait3A_146] : memref<2x64x512xf32, #tpu.memory_space<vmem>> -> memref<1x64x512xf32, #tpu.memory_space<vmem>>
      %dma_wait3A_148 = tpu.memref_squeeze %dma_wait3A_147 : memref<1x64x512xf32, #tpu.memory_space<vmem>> -> memref<64x512xf32, #tpu.memory_space<vmem>>
      %dma_wait3A_149 = arith.constant 0 : i32
      %dma_wait3A_150 = arith.constant 0 : i32
      %dma_wait3A_151 = tpu.memref_slice %arg3[%dma_wait3A_149, %dma_wait3A_150] : memref<64x1000000xf32, #tpu.memory_space<hbm>> -> memref<64x512xf32, #tpu.memory_space<hbm>>
      tpu.wait_dma2 semaphore(%arg13 : memref<!tpu.dma_semaphore, #tpu.memory_space<semaphore_mem>>) src(%dma_wait3A_151 : memref<64x512xf32, #tpu.memory_space<hbm>>) dst(%dma_wait3A_148 : memref<64x512xf32, #tpu.memory_space<vmem>>)
      %get3A_152 = arith.index_cast %while3A_136 : i32 to index
      %get3A_153 = tpu.vector_load %arg9[%get3A_152] {strides = array<i32>} : memref<80xi32, #tpu.memory_space<vmem>>, vector<16xi32>,
      %slice3A_154 = vector.extract_strided_slice %get3A_153 {offsets = [0], sizes = [1], strides = [1]} : vector<16xi32> to vector<1xi32>
      %squeeze3A_155 = vector.extract %slice3A_154[0] : i32 from vector<1xi32>
      %get3A_156 = arith.index_cast %while3A_136 : i32 to index
      %get3A_157 = tpu.vector_load %arg8[%get3A_156] {strides = array<i32>} : memref<80xi32, #tpu.memory_space<vmem>>, vector<16xi32>,
      %slice3A_158 = vector.extract_strided_slice %get3A_157 {offsets = [0], sizes = [1], strides = [1]} : vector<16xi32> to vector<1xi32>
      %squeeze3A_159 = vector.extract %slice3A_158[0] : i32 from vector<1xi32>
      %add3A_160 = vector.broadcast %and3A_138 : i32 to vector<16xi32>
      %add3A_161 = arith.addi %broadcast_in_dim3A_11, %add3A_160 : vector<16xi32>
      %add3A_162 = arith.addi %squeeze3A_155, %squeeze3A_159 : i32
      %while3A_163 = arith.subi %add3A_162, %squeeze3A_155 : i32
      %while3A_164 = arith.addi %squeeze3A_155, %while3A_163 : i32
      %while3A_165 = arith.constant 1 : i32
      %while3A_166 = arith.divsi %while3A_163, %while3A_165 : i32
      %while3A_167 = arith.muli %while3A_166, %while3A_165 : i32
      %while3A_168 = arith.addi %squeeze3A_155, %while3A_167 : i32
      %while3A_169 = arith.constant 1 : i32
      %while3A_170 = scf.for %while3A_178 = %squeeze3A_155 to %while3A_168 step %while3A_169 iter_args(%while3A_179 = %while3A_137) -> (i32)  : i32 {
        %get3A_180 = arith.index_cast %while3A_178 : i32 to index
        %get3A_181 = tpu.vector_load %arg7[%get3A_180] {strides = array<i32>} : memref<16400xi32, #tpu.memory_space<vmem>>, vector<16xi32>,
        %slice3A_182 = vector.extract_strided_slice %get3A_181 {offsets = [0], sizes = [1], strides = [1]} : vector<16xi32> to vector<1xi32>
        %squeeze3A_183 = vector.extract %slice3A_182[0] : i32 from vector<1xi32>
        %and3A_184 = arith.constant 16383 : i32
        %and3A_185 = arith.andi %squeeze3A_183, %and3A_184 : i32
        %shift_right_arithmetic3A = arith.constant 14 : i32
        %shift_right_arithmetic3A_186 = arith.shrsi %squeeze3A_183, %shift_right_arithmetic3A : i32
        %and3A_187 = arith.constant 511 : i32
        %and3A_188 = arith.andi %shift_right_arithmetic3A_186, %and3A_187 : i32
        %add3A_189 = vector.broadcast %and3A_188 : i32 to vector<16xi32>
        %add3A_190 = arith.addi %broadcast_in_dim3A_11, %add3A_189 : vector<16xi32>
        %and3A_191 = arith.constant 15 : i32
        %and3A_192 = arith.andi %while3A_179, %and3A_191 : i32
        %ge3A = arith.constant 16 : i32
        %ge3A_193 = arith.cmpi sge, %while3A_179, %ge3A : i32
        %convert_element_type3A_194 = arith.extui %ge3A_193 : i1 to i32
        %cond3A_195 = arith.constant 0 : i32
        %cond3A_196 = arith.cmpi ne, %convert_element_type3A_194, %cond3A_195 : i32
        scf.if %cond3A_196 {
          %dma_wait3A_237 = arith.constant 0 : i32
          %dma_wait3A_238 = arith.constant 0 : i32
          %dma_wait3A_239 = tpu.memref_slice %arg12[%and3A_192, %dma_wait3A_238] : memref<16x64xf32, #tpu.memory_space<vmem>> -> memref<1x64xf32, #tpu.memory_space<vmem>>
          %dma_wait3A_240 = tpu.memref_squeeze %dma_wait3A_239 : memref<1x64xf32, #tpu.memory_space<vmem>> -> memref<64xf32, #tpu.memory_space<vmem>>
          %dma_wait3A_241 = arith.constant 0 : i32
          %dma_wait3A_242 = tpu.memref_slice %arg4[%dma_wait3A_237, %dma_wait3A_241] : memref<16384x64xf32, #tpu.memory_space<hbm>> -> memref<1x64xf32, #tpu.memory_space<hbm>>
          %dma_wait3A_243 = tpu.memref_squeeze %dma_wait3A_242 : memref<1x64xf32, #tpu.memory_space<hbm>> -> memref<64xf32, #tpu.memory_space<hbm>>
          %dma_wait3A_244 = arith.constant 0 : i32
          %dma_wait3A_245 = tpu.memref_slice %arg12[%and3A_192, %dma_wait3A_244] : memref<16x64xf32, #tpu.memory_space<vmem>> -> memref<1x64xf32, #tpu.memory_space<vmem>>
          %dma_wait3A_246 = tpu.memref_squeeze %dma_wait3A_245 : memref<1x64xf32, #tpu.memory_space<vmem>> -> memref<64xf32, #tpu.memory_space<vmem>>
          %dma_wait3A_247 = arith.constant 0 : i32
          %dma_wait3A_248 = tpu.memref_slice %arg4[%dma_wait3A_237, %dma_wait3A_247] : memref<16384x64xf32, #tpu.memory_space<hbm>> -> memref<1x64xf32, #tpu.memory_space<hbm>>
          %dma_wait3A_249 = tpu.memref_squeeze %dma_wait3A_248 : memref<1x64xf32, #tpu.memory_space<hbm>> -> memref<64xf32, #tpu.memory_space<hbm>>
          tpu.wait_dma2 semaphore(%arg14 : memref<!tpu.dma_semaphore, #tpu.memory_space<semaphore_mem>>) src(%dma_wait3A_249 : memref<64xf32, #tpu.memory_space<hbm>>) dst(%dma_wait3A_246 : memref<64xf32, #tpu.memory_space<vmem>>)
        } else {
        }
        %add3A_197 = arith.constant 0 : i32
        %add3A_198 = vector.broadcast %add3A_197 : i32 to vector<16xi32>
        %add3A_199 = arith.addi %iota3A, %add3A_198 : vector<16xi32>
        %gather3A = tpu.vector_load_idx %arg11[%add3A_161, %add3A_199, %add3A_190] : memref<2x64x512xf32, #tpu.memory_space<vmem>>[vector<16xi32>, vector<16xi32>, vector<16xi32>], vector<16xf32>,
        %swap3A_200 = arith.index_cast %and3A_192 : i32 to index
        %swap3A_201 = arith.constant 0 : index
        %swap3A_202 = tpu.vector_load %arg12[%swap3A_200, %swap3A_201] {strides = array<i32>} : memref<16x64xf32, #tpu.memory_space<vmem>>, vector<16xf32>,
        tpu.vector_store %arg12[%swap3A_200, %swap3A_201], %gather3A {strides = array<i32>} : memref<16x64xf32, #tpu.memory_space<vmem>>, vector<16xf32>,
        %add3A_203 = arith.constant 16 : i32
        %add3A_204 = vector.broadcast %add3A_203 : i32 to vector<16xi32>
        %add3A_205 = arith.addi %iota3A, %add3A_204 : vector<16xi32>
        %gather3A_206 = tpu.vector_load_idx %arg11[%add3A_161, %add3A_205, %add3A_190] : memref<2x64x512xf32, #tpu.memory_space<vmem>>[vector<16xi32>, vector<16xi32>, vector<16xi32>], vector<16xf32>,
        %swap3A_207 = arith.index_cast %and3A_192 : i32 to index
        %swap3A_208 = arith.constant 16 : index
        %swap3A_209 = tpu.vector_load %arg12[%swap3A_207, %swap3A_208] {strides = array<i32>} : memref<16x64xf32, #tpu.memory_space<vmem>>, vector<16xf32>,
        tpu.vector_store %arg12[%swap3A_207, %swap3A_208], %gather3A_206 {strides = array<i32>} : memref<16x64xf32, #tpu.memory_space<vmem>>, vector<16xf32>,
        %add3A_210 = arith.constant 32 : i32
        %add3A_211 = vector.broadcast %add3A_210 : i32 to vector<16xi32>
        %add3A_212 = arith.addi %iota3A, %add3A_211 : vector<16xi32>
        %gather3A_213 = tpu.vector_load_idx %arg11[%add3A_161, %add3A_212, %add3A_190] : memref<2x64x512xf32, #tpu.memory_space<vmem>>[vector<16xi32>, vector<16xi32>, vector<16xi32>], vector<16xf32>,
        %swap3A_214 = arith.index_cast %and3A_192 : i32 to index
        %swap3A_215 = arith.constant 32 : index
        %swap3A_216 = tpu.vector_load %arg12[%swap3A_214, %swap3A_215] {strides = array<i32>} : memref<16x64xf32, #tpu.memory_space<vmem>>, vector<16xf32>,
        tpu.vector_store %arg12[%swap3A_214, %swap3A_215], %gather3A_213 {strides = array<i32>} : memref<16x64xf32, #tpu.memory_space<vmem>>, vector<16xf32>,
        %add3A_217 = arith.constant 48 : i32
        %add3A_218 = vector.broadcast %add3A_217 : i32 to vector<16xi32>
        %add3A_219 = arith.addi %iota3A, %add3A_218 : vector<16xi32>
        %gather3A_220 = tpu.vector_load_idx %arg11[%add3A_161, %add3A_219, %add3A_190] : memref<2x64x512xf32, #tpu.memory_space<vmem>>[vector<16xi32>, vector<16xi32>, vector<16xi32>], vector<16xf32>,
        %swap3A_221 = arith.index_cast %and3A_192 : i32 to index
        %swap3A_222 = arith.constant 48 : index
        %swap3A_223 = tpu.vector_load %arg12[%swap3A_221, %swap3A_222] {strides = array<i32>} : memref<16x64xf32, #tpu.memory_space<vmem>>, vector<16xf32>,
        tpu.vector_store %arg12[%swap3A_221, %swap3A_222], %gather3A_220 {strides = array<i32>} : memref<16x64xf32, #tpu.memory_space<vmem>>, vector<16xf32>,
        %dma_start3A = arith.constant 0 : i32
        %dma_start3A_224 = tpu.memref_slice %arg12[%and3A_192, %dma_start3A] : memref<16x64xf32, #tpu.memory_space<vmem>> -> memref<1x64xf32, #tpu.memory_space<vmem>>
        %dma_start3A_225 = tpu.memref_squeeze %dma_start3A_224 : memref<1x64xf32, #tpu.memory_space<vmem>> -> memref<64xf32, #tpu.memory_space<vmem>>
        %dma_start3A_226 = arith.constant 0 : i32
        %dma_start3A_227 = tpu.memref_slice %arg4[%and3A_185, %dma_start3A_226] : memref<16384x64xf32, #tpu.memory_space<hbm>> -> memref<1x64xf32, #tpu.memory_space<hbm>>
        %dma_start3A_228 = tpu.memref_squeeze %dma_start3A_227 : memref<1x64xf32, #tpu.memory_space<hbm>> -> memref<64xf32, #tpu.memory_space<hbm>>
        %dma_start3A_229 = arith.constant 0 : i32
        %dma_start3A_230 = tpu.memref_slice %arg4[%and3A_185, %dma_start3A_229] : memref<16384x64xf32, #tpu.memory_space<hbm>> -> memref<1x64xf32, #tpu.memory_space<hbm>>
        %dma_start3A_231 = tpu.memref_squeeze %dma_start3A_230 : memref<1x64xf32, #tpu.memory_space<hbm>> -> memref<64xf32, #tpu.memory_space<hbm>>
        %dma_start3A_232 = arith.constant 0 : i32
        %dma_start3A_233 = tpu.memref_slice %arg12[%and3A_192, %dma_start3A_232] : memref<16x64xf32, #tpu.memory_space<vmem>> -> memref<1x64xf32, #tpu.memory_space<vmem>>
        %dma_start3A_234 = tpu.memref_squeeze %dma_start3A_233 : memref<1x64xf32, #tpu.memory_space<vmem>> -> memref<64xf32, #tpu.memory_space<vmem>>
        tpu.enqueue_dma source(%dma_start3A_234 : memref<64xf32, #tpu.memory_space<vmem>>) target(%dma_start3A_231 : memref<64xf32, #tpu.memory_space<hbm>>) target_semaphore(%arg14 : memref<!tpu.dma_semaphore, #tpu.memory_space<semaphore_mem>>)
        %add3A_235 = arith.constant 1 : i32
        %add3A_236 = arith.addi %while3A_179, %add3A_235 : i32
        scf.yield %add3A_236 : i32
      }
      %while3A_171 = arith.constant 1 : i32
      %while3A_172 = scf.for %while3A_178 = %while3A_168 to %while3A_164 step %while3A_171 iter_args(%while3A_179 = %while3A_170) -> (i32)  : i32 {
        %get3A_180 = arith.index_cast %while3A_178 : i32 to index
        %get3A_181 = tpu.vector_load %arg7[%get3A_180] {strides = array<i32>} : memref<16400xi32, #tpu.memory_space<vmem>>, vector<16xi32>,
        %slice3A_182 = vector.extract_strided_slice %get3A_181 {offsets = [0], sizes = [1], strides = [1]} : vector<16xi32> to vector<1xi32>
        %squeeze3A_183 = vector.extract %slice3A_182[0] : i32 from vector<1xi32>
        %and3A_184 = arith.constant 16383 : i32
        %and3A_185 = arith.andi %squeeze3A_183, %and3A_184 : i32
        %shift_right_arithmetic3A = arith.constant 14 : i32
        %shift_right_arithmetic3A_186 = arith.shrsi %squeeze3A_183, %shift_right_arithmetic3A : i32
        %and3A_187 = arith.constant 511 : i32
        %and3A_188 = arith.andi %shift_right_arithmetic3A_186, %and3A_187 : i32
        %add3A_189 = vector.broadcast %and3A_188 : i32 to vector<16xi32>
        %add3A_190 = arith.addi %broadcast_in_dim3A_11, %add3A_189 : vector<16xi32>
        %and3A_191 = arith.constant 15 : i32
        %and3A_192 = arith.andi %while3A_179, %and3A_191 : i32
        %ge3A = arith.constant 16 : i32
        %ge3A_193 = arith.cmpi sge, %while3A_179, %ge3A : i32
        %convert_element_type3A_194 = arith.extui %ge3A_193 : i1 to i32
        %cond3A_195 = arith.constant 0 : i32
        %cond3A_196 = arith.cmpi ne, %convert_element_type3A_194, %cond3A_195 : i32
        scf.if %cond3A_196 {
          %dma_wait3A_237 = arith.constant 0 : i32
          %dma_wait3A_238 = arith.constant 0 : i32
          %dma_wait3A_239 = tpu.memref_slice %arg12[%and3A_192, %dma_wait3A_238] : memref<16x64xf32, #tpu.memory_space<vmem>> -> memref<1x64xf32, #tpu.memory_space<vmem>>
          %dma_wait3A_240 = tpu.memref_squeeze %dma_wait3A_239 : memref<1x64xf32, #tpu.memory_space<vmem>> -> memref<64xf32, #tpu.memory_space<vmem>>
          %dma_wait3A_241 = arith.constant 0 : i32
          %dma_wait3A_242 = tpu.memref_slice %arg4[%dma_wait3A_237, %dma_wait3A_241] : memref<16384x64xf32, #tpu.memory_space<hbm>> -> memref<1x64xf32, #tpu.memory_space<hbm>>
          %dma_wait3A_243 = tpu.memref_squeeze %dma_wait3A_242 : memref<1x64xf32, #tpu.memory_space<hbm>> -> memref<64xf32, #tpu.memory_space<hbm>>
          %dma_wait3A_244 = arith.constant 0 : i32
          %dma_wait3A_245 = tpu.memref_slice %arg12[%and3A_192, %dma_wait3A_244] : memref<16x64xf32, #tpu.memory_space<vmem>> -> memref<1x64xf32, #tpu.memory_space<vmem>>
          %dma_wait3A_246 = tpu.memref_squeeze %dma_wait3A_245 : memref<1x64xf32, #tpu.memory_space<vmem>> -> memref<64xf32, #tpu.memory_space<vmem>>
          %dma_wait3A_247 = arith.constant 0 : i32
          %dma_wait3A_248 = tpu.memref_slice %arg4[%dma_wait3A_237, %dma_wait3A_247] : memref<16384x64xf32, #tpu.memory_space<hbm>> -> memref<1x64xf32, #tpu.memory_space<hbm>>
          %dma_wait3A_249 = tpu.memref_squeeze %dma_wait3A_248 : memref<1x64xf32, #tpu.memory_space<hbm>> -> memref<64xf32, #tpu.memory_space<hbm>>
          tpu.wait_dma2 semaphore(%arg14 : memref<!tpu.dma_semaphore, #tpu.memory_space<semaphore_mem>>) src(%dma_wait3A_249 : memref<64xf32, #tpu.memory_space<hbm>>) dst(%dma_wait3A_246 : memref<64xf32, #tpu.memory_space<vmem>>)
        } else {
        }
        %add3A_197 = arith.constant 0 : i32
        %add3A_198 = vector.broadcast %add3A_197 : i32 to vector<16xi32>
        %add3A_199 = arith.addi %iota3A, %add3A_198 : vector<16xi32>
        %gather3A = tpu.vector_load_idx %arg11[%add3A_161, %add3A_199, %add3A_190] : memref<2x64x512xf32, #tpu.memory_space<vmem>>[vector<16xi32>, vector<16xi32>, vector<16xi32>], vector<16xf32>,
        %swap3A_200 = arith.index_cast %and3A_192 : i32 to index
        %swap3A_201 = arith.constant 0 : index
        %swap3A_202 = tpu.vector_load %arg12[%swap3A_200, %swap3A_201] {strides = array<i32>} : memref<16x64xf32, #tpu.memory_space<vmem>>, vector<16xf32>,
        tpu.vector_store %arg12[%swap3A_200, %swap3A_201], %gather3A {strides = array<i32>} : memref<16x64xf32, #tpu.memory_space<vmem>>, vector<16xf32>,
        %add3A_203 = arith.constant 16 : i32
        %add3A_204 = vector.broadcast %add3A_203 : i32 to vector<16xi32>
        %add3A_205 = arith.addi %iota3A, %add3A_204 : vector<16xi32>
        %gather3A_206 = tpu.vector_load_idx %arg11[%add3A_161, %add3A_205, %add3A_190] : memref<2x64x512xf32, #tpu.memory_space<vmem>>[vector<16xi32>, vector<16xi32>, vector<16xi32>], vector<16xf32>,
        %swap3A_207 = arith.index_cast %and3A_192 : i32 to index
        %swap3A_208 = arith.constant 16 : index
        %swap3A_209 = tpu.vector_load %arg12[%swap3A_207, %swap3A_208] {strides = array<i32>} : memref<16x64xf32, #tpu.memory_space<vmem>>, vector<16xf32>,
        tpu.vector_store %arg12[%swap3A_207, %swap3A_208], %gather3A_206 {strides = array<i32>} : memref<16x64xf32, #tpu.memory_space<vmem>>, vector<16xf32>,
        %add3A_210 = arith.constant 32 : i32
        %add3A_211 = vector.broadcast %add3A_210 : i32 to vector<16xi32>
        %add3A_212 = arith.addi %iota3A, %add3A_211 : vector<16xi32>
        %gather3A_213 = tpu.vector_load_idx %arg11[%add3A_161, %add3A_212, %add3A_190] : memref<2x64x512xf32, #tpu.memory_space<vmem>>[vector<16xi32>, vector<16xi32>, vector<16xi32>], vector<16xf32>,
        %swap3A_214 = arith.index_cast %and3A_192 : i32 to index
        %swap3A_215 = arith.constant 32 : index
        %swap3A_216 = tpu.vector_load %arg12[%swap3A_214, %swap3A_215] {strides = array<i32>} : memref<16x64xf32, #tpu.memory_space<vmem>>, vector<16xf32>,
        tpu.vector_store %arg12[%swap3A_214, %swap3A_215], %gather3A_213 {strides = array<i32>} : memref<16x64xf32, #tpu.memory_space<vmem>>, vector<16xf32>,
        %add3A_217 = arith.constant 48 : i32
        %add3A_218 = vector.broadcast %add3A_217 : i32 to vector<16xi32>
        %add3A_219 = arith.addi %iota3A, %add3A_218 : vector<16xi32>
        %gather3A_220 = tpu.vector_load_idx %arg11[%add3A_161, %add3A_219, %add3A_190] : memref<2x64x512xf32, #tpu.memory_space<vmem>>[vector<16xi32>, vector<16xi32>, vector<16xi32>], vector<16xf32>,
        %swap3A_221 = arith.index_cast %and3A_192 : i32 to index
        %swap3A_222 = arith.constant 48 : index
        %swap3A_223 = tpu.vector_load %arg12[%swap3A_221, %swap3A_222] {strides = array<i32>} : memref<16x64xf32, #tpu.memory_space<vmem>>, vector<16xf32>,
        tpu.vector_store %arg12[%swap3A_221, %swap3A_222], %gather3A_220 {strides = array<i32>} : memref<16x64xf32, #tpu.memory_space<vmem>>, vector<16xf32>,
        %dma_start3A = arith.constant 0 : i32
        %dma_start3A_224 = tpu.memref_slice %arg12[%and3A_192, %dma_start3A] : memref<16x64xf32, #tpu.memory_space<vmem>> -> memref<1x64xf32, #tpu.memory_space<vmem>>
        %dma_start3A_225 = tpu.memref_squeeze %dma_start3A_224 : memref<1x64xf32, #tpu.memory_space<vmem>> -> memref<64xf32, #tpu.memory_space<vmem>>
        %dma_start3A_226 = arith.constant 0 : i32
        %dma_start3A_227 = tpu.memref_slice %arg4[%and3A_185, %dma_start3A_226] : memref<16384x64xf32, #tpu.memory_space<hbm>> -> memref<1x64xf32, #tpu.memory_space<hbm>>
        %dma_start3A_228 = tpu.memref_squeeze %dma_start3A_227 : memref<1x64xf32, #tpu.memory_space<hbm>> -> memref<64xf32, #tpu.memory_space<hbm>>
        %dma_start3A_229 = arith.constant 0 : i32
        %dma_start3A_230 = tpu.memref_slice %arg4[%and3A_185, %dma_start3A_229] : memref<16384x64xf32, #tpu.memory_space<hbm>> -> memref<1x64xf32, #tpu.memory_space<hbm>>
        %dma_start3A_231 = tpu.memref_squeeze %dma_start3A_230 : memref<1x64xf32, #tpu.memory_space<hbm>> -> memref<64xf32, #tpu.memory_space<hbm>>
        %dma_start3A_232 = arith.constant 0 : i32
        %dma_start3A_233 = tpu.memref_slice %arg12[%and3A_192, %dma_start3A_232] : memref<16x64xf32, #tpu.memory_space<vmem>> -> memref<1x64xf32, #tpu.memory_space<vmem>>
        %dma_start3A_234 = tpu.memref_squeeze %dma_start3A_233 : memref<1x64xf32, #tpu.memory_space<vmem>> -> memref<64xf32, #tpu.memory_space<vmem>>
        tpu.enqueue_dma source(%dma_start3A_234 : memref<64xf32, #tpu.memory_space<vmem>>) target(%dma_start3A_231 : memref<64xf32, #tpu.memory_space<hbm>>) target_semaphore(%arg14 : memref<!tpu.dma_semaphore, #tpu.memory_space<semaphore_mem>>)
        %add3A_235 = arith.constant 1 : i32
        %add3A_236 = arith.addi %while3A_179, %add3A_235 : i32
        scf.yield %add3A_236 : i32
      }
      %add3A_173 = arith.constant 2 : i32
      %add3A_174 = arith.addi %while3A_136, %add3A_173 : i32
      %lt3A = arith.cmpi slt, %add3A_174, %add3A_10 : i32
      %convert_element_type3A_175 = arith.extui %lt3A : i1 to i32
      %cond3A_176 = arith.constant 0 : i32
      %cond3A_177 = arith.cmpi ne, %convert_element_type3A_175, %cond3A_176 : i32
      scf.if %cond3A_177 {
        %add3A_178 = arith.constant 2 : i32
        %add3A_179 = arith.addi %while3A_136, %add3A_178 : i32
        %mul3A_180 = arith.constant 4 : i32
        %mul3A_181 = arith.muli %add3A_179, %mul3A_180 : i32
        %add3A_182 = arith.addi %mul3A_3, %mul3A_181 : i32
        %shift_left3A = arith.constant 7 : i32
        %shift_left3A_183 = arith.shli %add3A_182, %shift_left3A : i32
        %multiple_of3A = tpu.assume_multiple %shift_left3A_183, 128 : i32
        %and3A_184 = arith.constant 1 : i32
        %and3A_185 = arith.andi %add3A_179, %and3A_184 : i32
        %dma_start3A = arith.constant 0 : i32
        %dma_start3A_186 = arith.constant 0 : i32
        %dma_start3A_187 = tpu.memref_slice %arg11[%and3A_185, %dma_start3A, %dma_start3A_186] : memref<2x64x512xf32, #tpu.memory_space<vmem>> -> memref<1x64x512xf32, #tpu.memory_space<vmem>>
        %dma_start3A_188 = tpu.memref_squeeze %dma_start3A_187 : memref<1x64x512xf32, #tpu.memory_space<vmem>> -> memref<64x512xf32, #tpu.memory_space<vmem>>
        %dma_start3A_189 = arith.constant 0 : i32
        %dma_start3A_190 = tpu.memref_slice %arg3[%dma_start3A_189, %multiple_of3A] : memref<64x1000000xf32, #tpu.memory_space<hbm>> -> memref<64x512xf32, #tpu.memory_space<hbm>>
        %dma_start3A_191 = arith.constant 0 : i32
        %dma_start3A_192 = arith.constant 0 : i32
        %dma_start3A_193 = tpu.memref_slice %arg11[%and3A_185, %dma_start3A_191, %dma_start3A_192] : memref<2x64x512xf32, #tpu.memory_space<vmem>> -> memref<1x64x512xf32, #tpu.memory_space<vmem>>
        %dma_start3A_194 = tpu.memref_squeeze %dma_start3A_193 : memref<1x64x512xf32, #tpu.memory_space<vmem>> -> memref<64x512xf32, #tpu.memory_space<vmem>>
        %dma_start3A_195 = arith.constant 0 : i32
        %dma_start3A_196 = tpu.memref_slice %arg3[%dma_start3A_195, %multiple_of3A] : memref<64x1000000xf32, #tpu.memory_space<hbm>> -> memref<64x512xf32, #tpu.memory_space<hbm>>
        tpu.enqueue_dma source(%dma_start3A_196 : memref<64x512xf32, #tpu.memory_space<hbm>>) target(%dma_start3A_194 : memref<64x512xf32, #tpu.memory_space<vmem>>) target_semaphore(%arg13 : memref<!tpu.dma_semaphore, #tpu.memory_space<semaphore_mem>>)
      } else {
      }
      scf.yield %while3A_172 : i32
    }
    %convert_element_type3A_124 = arith.extui %eq3A_1 : i1 to i32
    %cond3A = arith.constant 0 : i32
    %cond3A_125 = arith.cmpi ne, %convert_element_type3A_124, %cond3A : i32
    scf.if %cond3A_125 {
      %mul3A_136 = arith.constant 0 : i32
      %mul3A_137 = arith.muli %add3A, %mul3A_136 : i32
      %add3A_138 = arith.constant 999936 : i32
      %add3A_139 = arith.addi %add3A_138, %mul3A_137 : i32
      %multiple_of3A = tpu.assume_multiple %add3A_139, 128 : i32
      %run_scoped3A = arith.constant 0 : i32
      "tpu.region"() ({
        %run_scoped3A_140 = tpu.sem_alloc : memref<!tpu.dma_semaphore, #tpu.memory_space<semaphore_mem>>
        %dma_start3A = arith.constant 0 : i32
        %dma_start3A_141 = arith.constant 0 : i32
        %dma_start3A_142 = tpu.memref_slice %arg11[%run_scoped3A, %dma_start3A, %dma_start3A_141] : memref<2x64x512xf32, #tpu.memory_space<vmem>> -> memref<1x64x128xf32, #tpu.memory_space<vmem>>
        %dma_start3A_143 = tpu.memref_squeeze %dma_start3A_142 : memref<1x64x128xf32, #tpu.memory_space<vmem>> -> memref<64x128xf32, #tpu.memory_space<vmem>>
        %dma_start3A_144 = arith.constant 0 : i32
        %dma_start3A_145 = tpu.memref_slice %arg3[%dma_start3A_144, %multiple_of3A] : memref<64x1000000xf32, #tpu.memory_space<hbm>> -> memref<64x128xf32, #tpu.memory_space<hbm>>
        %dma_start3A_146 = arith.constant 0 : i32
        %dma_start3A_147 = arith.constant 0 : i32
        %dma_start3A_148 = tpu.memref_slice %arg11[%run_scoped3A, %dma_start3A_146, %dma_start3A_147] : memref<2x64x512xf32, #tpu.memory_space<vmem>> -> memref<1x64x128xf32, #tpu.memory_space<vmem>>
        %dma_start3A_149 = tpu.memref_squeeze %dma_start3A_148 : memref<1x64x128xf32, #tpu.memory_space<vmem>> -> memref<64x128xf32, #tpu.memory_space<vmem>>
        %dma_start3A_150 = arith.constant 0 : i32
        %dma_start3A_151 = tpu.memref_slice %arg3[%dma_start3A_150, %multiple_of3A] : memref<64x1000000xf32, #tpu.memory_space<hbm>> -> memref<64x128xf32, #tpu.memory_space<hbm>>
        tpu.enqueue_dma source(%dma_start3A_151 : memref<64x128xf32, #tpu.memory_space<hbm>>) target(%dma_start3A_149 : memref<64x128xf32, #tpu.memory_space<vmem>>) target_semaphore(%run_scoped3A_140 : memref<!tpu.dma_semaphore, #tpu.memory_space<semaphore_mem>>)
        %dma_wait3A = arith.constant 0 : i32
        %dma_wait3A_152 = arith.constant 0 : i32
        %dma_wait3A_153 = tpu.memref_slice %arg11[%run_scoped3A, %dma_wait3A, %dma_wait3A_152] : memref<2x64x512xf32, #tpu.memory_space<vmem>> -> memref<1x64x128xf32, #tpu.memory_space<vmem>>
        %dma_wait3A_154 = tpu.memref_squeeze %dma_wait3A_153 : memref<1x64x128xf32, #tpu.memory_space<vmem>> -> memref<64x128xf32, #tpu.memory_space<vmem>>
        %dma_wait3A_155 = arith.constant 0 : i32
        %dma_wait3A_156 = tpu.memref_slice %arg3[%dma_wait3A_155, %multiple_of3A] : memref<64x1000000xf32, #tpu.memory_space<hbm>> -> memref<64x128xf32, #tpu.memory_space<hbm>>
        %dma_wait3A_157 = arith.constant 0 : i32
        %dma_wait3A_158 = arith.constant 0 : i32
        %dma_wait3A_159 = tpu.memref_slice %arg11[%run_scoped3A, %dma_wait3A_157, %dma_wait3A_158] : memref<2x64x512xf32, #tpu.memory_space<vmem>> -> memref<1x64x128xf32, #tpu.memory_space<vmem>>
        %dma_wait3A_160 = tpu.memref_squeeze %dma_wait3A_159 : memref<1x64x128xf32, #tpu.memory_space<vmem>> -> memref<64x128xf32, #tpu.memory_space<vmem>>
        %dma_wait3A_161 = arith.constant 0 : i32
        %dma_wait3A_162 = tpu.memref_slice %arg3[%dma_wait3A_161, %multiple_of3A] : memref<64x1000000xf32, #tpu.memory_space<hbm>> -> memref<64x128xf32, #tpu.memory_space<hbm>>
        tpu.wait_dma2 semaphore(%run_scoped3A_140 : memref<!tpu.dma_semaphore, #tpu.memory_space<semaphore_mem>>) src(%dma_wait3A_162 : memref<64x128xf32, #tpu.memory_space<hbm>>) dst(%dma_wait3A_160 : memref<64x128xf32, #tpu.memory_space<vmem>>)
        tpu.yield
      }) : () -> ()
    } else {
    }
    %convert_element_type3A_126 = arith.extui %eq3A_1 : i1 to i32
    %cond3A_127 = arith.constant 0 : i32
    %cond3A_128 = arith.cmpi ne, %convert_element_type3A_126, %cond3A_127 : i32
    %cond3A_129 = scf.if %cond3A_128 -> (i32) {
      %get3A_136 = arith.constant 62 : index
      %get3A_137 = tpu.vector_load %arg9[%get3A_136] {strides = array<i32>} : memref<80xi32, #tpu.memory_space<vmem>>, vector<16xi32>,
      %slice3A_138 = vector.extract_strided_slice %get3A_137 {offsets = [0], sizes = [1], strides = [1]} : vector<16xi32> to vector<1xi32>
      %squeeze3A_139 = vector.extract %slice3A_138[0] : i32 from vector<1xi32>
      %get3A_140 = arith.constant 62 : index
      %get3A_141 = tpu.vector_load %arg8[%get3A_140] {strides = array<i32>} : memref<80xi32, #tpu.memory_space<vmem>>, vector<16xi32>,
      %slice3A_142 = vector.extract_strided_slice %get3A_141 {offsets = [0], sizes = [1], strides = [1]} : vector<16xi32> to vector<1xi32>
      %squeeze3A_143 = vector.extract %slice3A_142[0] : i32 from vector<1xi32>
      %add3A_144 = arith.constant 0 : i32
      %add3A_145 = vector.broadcast %add3A_144 : i32 to vector<16xi32>
      %add3A_146 = arith.addi %broadcast_in_dim3A_11, %add3A_145 : vector<16xi32>
      %add3A_147 = arith.addi %squeeze3A_139, %squeeze3A_143 : i32
      %while3A_148 = arith.subi %add3A_147, %squeeze3A_139 : i32
      %while3A_149 = arith.addi %squeeze3A_139, %while3A_148 : i32
      %while3A_150 = arith.constant 1 : i32
      %while3A_151 = arith.divsi %while3A_148, %while3A_150 : i32
      %while3A_152 = arith.muli %while3A_151, %while3A_150 : i32
      %while3A_153 = arith.addi %squeeze3A_139, %while3A_152 : i32
      %while3A_154 = arith.constant 1 : i32
      %while3A_155 = scf.for %while3A_158 = %squeeze3A_139 to %while3A_153 step %while3A_154 iter_args(%while3A_159 = %while3A_123) -> (i32)  : i32 {
        %get3A_160 = arith.index_cast %while3A_158 : i32 to index
        %get3A_161 = tpu.vector_load %arg7[%get3A_160] {strides = array<i32>} : memref<16400xi32, #tpu.memory_space<vmem>>, vector<16xi32>,
        %slice3A_162 = vector.extract_strided_slice %get3A_161 {offsets = [0], sizes = [1], strides = [1]} : vector<16xi32> to vector<1xi32>
        %squeeze3A_163 = vector.extract %slice3A_162[0] : i32 from vector<1xi32>
        %and3A = arith.constant 16383 : i32
        %and3A_164 = arith.andi %squeeze3A_163, %and3A : i32
        %shift_right_arithmetic3A = arith.constant 14 : i32
        %shift_right_arithmetic3A_165 = arith.shrsi %squeeze3A_163, %shift_right_arithmetic3A : i32
        %and3A_166 = arith.constant 511 : i32
        %and3A_167 = arith.andi %shift_right_arithmetic3A_165, %and3A_166 : i32
        %add3A_168 = vector.broadcast %and3A_167 : i32 to vector<16xi32>
        %add3A_169 = arith.addi %broadcast_in_dim3A_11, %add3A_168 : vector<16xi32>
        %and3A_170 = arith.constant 15 : i32
        %and3A_171 = arith.andi %while3A_159, %and3A_170 : i32
        %ge3A = arith.constant 16 : i32
        %ge3A_172 = arith.cmpi sge, %while3A_159, %ge3A : i32
        %convert_element_type3A_173 = arith.extui %ge3A_172 : i1 to i32
        %cond3A_174 = arith.constant 0 : i32
        %cond3A_175 = arith.cmpi ne, %convert_element_type3A_173, %cond3A_174 : i32
        scf.if %cond3A_175 {
          %dma_wait3A = arith.constant 0 : i32
          %dma_wait3A_216 = arith.constant 0 : i32
          %dma_wait3A_217 = tpu.memref_slice %arg12[%and3A_171, %dma_wait3A_216] : memref<16x64xf32, #tpu.memory_space<vmem>> -> memref<1x64xf32, #tpu.memory_space<vmem>>
          %dma_wait3A_218 = tpu.memref_squeeze %dma_wait3A_217 : memref<1x64xf32, #tpu.memory_space<vmem>> -> memref<64xf32, #tpu.memory_space<vmem>>
          %dma_wait3A_219 = arith.constant 0 : i32
          %dma_wait3A_220 = tpu.memref_slice %arg4[%dma_wait3A, %dma_wait3A_219] : memref<16384x64xf32, #tpu.memory_space<hbm>> -> memref<1x64xf32, #tpu.memory_space<hbm>>
          %dma_wait3A_221 = tpu.memref_squeeze %dma_wait3A_220 : memref<1x64xf32, #tpu.memory_space<hbm>> -> memref<64xf32, #tpu.memory_space<hbm>>
          %dma_wait3A_222 = arith.constant 0 : i32
          %dma_wait3A_223 = tpu.memref_slice %arg12[%and3A_171, %dma_wait3A_222] : memref<16x64xf32, #tpu.memory_space<vmem>> -> memref<1x64xf32, #tpu.memory_space<vmem>>
          %dma_wait3A_224 = tpu.memref_squeeze %dma_wait3A_223 : memref<1x64xf32, #tpu.memory_space<vmem>> -> memref<64xf32, #tpu.memory_space<vmem>>
          %dma_wait3A_225 = arith.constant 0 : i32
          %dma_wait3A_226 = tpu.memref_slice %arg4[%dma_wait3A, %dma_wait3A_225] : memref<16384x64xf32, #tpu.memory_space<hbm>> -> memref<1x64xf32, #tpu.memory_space<hbm>>
          %dma_wait3A_227 = tpu.memref_squeeze %dma_wait3A_226 : memref<1x64xf32, #tpu.memory_space<hbm>> -> memref<64xf32, #tpu.memory_space<hbm>>
          tpu.wait_dma2 semaphore(%arg14 : memref<!tpu.dma_semaphore, #tpu.memory_space<semaphore_mem>>) src(%dma_wait3A_227 : memref<64xf32, #tpu.memory_space<hbm>>) dst(%dma_wait3A_224 : memref<64xf32, #tpu.memory_space<vmem>>)
        } else {
        }
        %add3A_176 = arith.constant 0 : i32
        %add3A_177 = vector.broadcast %add3A_176 : i32 to vector<16xi32>
        %add3A_178 = arith.addi %iota3A, %add3A_177 : vector<16xi32>
        %gather3A = tpu.vector_load_idx %arg11[%add3A_146, %add3A_178, %add3A_169] : memref<2x64x512xf32, #tpu.memory_space<vmem>>[vector<16xi32>, vector<16xi32>, vector<16xi32>], vector<16xf32>,
        %swap3A_179 = arith.index_cast %and3A_171 : i32 to index
        %swap3A_180 = arith.constant 0 : index
        %swap3A_181 = tpu.vector_load %arg12[%swap3A_179, %swap3A_180] {strides = array<i32>} : memref<16x64xf32, #tpu.memory_space<vmem>>, vector<16xf32>,
        tpu.vector_store %arg12[%swap3A_179, %swap3A_180], %gather3A {strides = array<i32>} : memref<16x64xf32, #tpu.memory_space<vmem>>, vector<16xf32>,
        %add3A_182 = arith.constant 16 : i32
        %add3A_183 = vector.broadcast %add3A_182 : i32 to vector<16xi32>
        %add3A_184 = arith.addi %iota3A, %add3A_183 : vector<16xi32>
        %gather3A_185 = tpu.vector_load_idx %arg11[%add3A_146, %add3A_184, %add3A_169] : memref<2x64x512xf32, #tpu.memory_space<vmem>>[vector<16xi32>, vector<16xi32>, vector<16xi32>], vector<16xf32>,
        %swap3A_186 = arith.index_cast %and3A_171 : i32 to index
        %swap3A_187 = arith.constant 16 : index
        %swap3A_188 = tpu.vector_load %arg12[%swap3A_186, %swap3A_187] {strides = array<i32>} : memref<16x64xf32, #tpu.memory_space<vmem>>, vector<16xf32>,
        tpu.vector_store %arg12[%swap3A_186, %swap3A_187], %gather3A_185 {strides = array<i32>} : memref<16x64xf32, #tpu.memory_space<vmem>>, vector<16xf32>,
        %add3A_189 = arith.constant 32 : i32
        %add3A_190 = vector.broadcast %add3A_189 : i32 to vector<16xi32>
        %add3A_191 = arith.addi %iota3A, %add3A_190 : vector<16xi32>
        %gather3A_192 = tpu.vector_load_idx %arg11[%add3A_146, %add3A_191, %add3A_169] : memref<2x64x512xf32, #tpu.memory_space<vmem>>[vector<16xi32>, vector<16xi32>, vector<16xi32>], vector<16xf32>,
        %swap3A_193 = arith.index_cast %and3A_171 : i32 to index
        %swap3A_194 = arith.constant 32 : index
        %swap3A_195 = tpu.vector_load %arg12[%swap3A_193, %swap3A_194] {strides = array<i32>} : memref<16x64xf32, #tpu.memory_space<vmem>>, vector<16xf32>,
        tpu.vector_store %arg12[%swap3A_193, %swap3A_194], %gather3A_192 {strides = array<i32>} : memref<16x64xf32, #tpu.memory_space<vmem>>, vector<16xf32>,
        %add3A_196 = arith.constant 48 : i32
        %add3A_197 = vector.broadcast %add3A_196 : i32 to vector<16xi32>
        %add3A_198 = arith.addi %iota3A, %add3A_197 : vector<16xi32>
        %gather3A_199 = tpu.vector_load_idx %arg11[%add3A_146, %add3A_198, %add3A_169] : memref<2x64x512xf32, #tpu.memory_space<vmem>>[vector<16xi32>, vector<16xi32>, vector<16xi32>], vector<16xf32>,
        %swap3A_200 = arith.index_cast %and3A_171 : i32 to index
        %swap3A_201 = arith.constant 48 : index
        %swap3A_202 = tpu.vector_load %arg12[%swap3A_200, %swap3A_201] {strides = array<i32>} : memref<16x64xf32, #tpu.memory_space<vmem>>, vector<16xf32>,
        tpu.vector_store %arg12[%swap3A_200, %swap3A_201], %gather3A_199 {strides = array<i32>} : memref<16x64xf32, #tpu.memory_space<vmem>>, vector<16xf32>,
        %dma_start3A = arith.constant 0 : i32
        %dma_start3A_203 = tpu.memref_slice %arg12[%and3A_171, %dma_start3A] : memref<16x64xf32, #tpu.memory_space<vmem>> -> memref<1x64xf32, #tpu.memory_space<vmem>>
        %dma_start3A_204 = tpu.memref_squeeze %dma_start3A_203 : memref<1x64xf32, #tpu.memory_space<vmem>> -> memref<64xf32, #tpu.memory_space<vmem>>
        %dma_start3A_205 = arith.constant 0 : i32
        %dma_start3A_206 = tpu.memref_slice %arg4[%and3A_164, %dma_start3A_205] : memref<16384x64xf32, #tpu.memory_space<hbm>> -> memref<1x64xf32, #tpu.memory_space<hbm>>
        %dma_start3A_207 = tpu.memref_squeeze %dma_start3A_206 : memref<1x64xf32, #tpu.memory_space<hbm>> -> memref<64xf32, #tpu.memory_space<hbm>>
        %dma_start3A_208 = arith.constant 0 : i32
        %dma_start3A_209 = tpu.memref_slice %arg4[%and3A_164, %dma_start3A_208] : memref<16384x64xf32, #tpu.memory_space<hbm>> -> memref<1x64xf32, #tpu.memory_space<hbm>>
        %dma_start3A_210 = tpu.memref_squeeze %dma_start3A_209 : memref<1x64xf32, #tpu.memory_space<hbm>> -> memref<64xf32, #tpu.memory_space<hbm>>
        %dma_start3A_211 = arith.constant 0 : i32
        %dma_start3A_212 = tpu.memref_slice %arg12[%and3A_171, %dma_start3A_211] : memref<16x64xf32, #tpu.memory_space<vmem>> -> memref<1x64xf32, #tpu.memory_space<vmem>>
        %dma_start3A_213 = tpu.memref_squeeze %dma_start3A_212 : memref<1x64xf32, #tpu.memory_space<vmem>> -> memref<64xf32, #tpu.memory_space<vmem>>
        tpu.enqueue_dma source(%dma_start3A_213 : memref<64xf32, #tpu.memory_space<vmem>>) target(%dma_start3A_210 : memref<64xf32, #tpu.memory_space<hbm>>) target_semaphore(%arg14 : memref<!tpu.dma_semaphore, #tpu.memory_space<semaphore_mem>>)
        %add3A_214 = arith.constant 1 : i32
        %add3A_215 = arith.addi %while3A_159, %add3A_214 : i32
        scf.yield %add3A_215 : i32
      }
      %while3A_156 = arith.constant 1 : i32
      %while3A_157 = scf.for %while3A_158 = %while3A_153 to %while3A_149 step %while3A_156 iter_args(%while3A_159 = %while3A_155) -> (i32)  : i32 {
        %get3A_160 = arith.index_cast %while3A_158 : i32 to index
        %get3A_161 = tpu.vector_load %arg7[%get3A_160] {strides = array<i32>} : memref<16400xi32, #tpu.memory_space<vmem>>, vector<16xi32>,
        %slice3A_162 = vector.extract_strided_slice %get3A_161 {offsets = [0], sizes = [1], strides = [1]} : vector<16xi32> to vector<1xi32>
        %squeeze3A_163 = vector.extract %slice3A_162[0] : i32 from vector<1xi32>
        %and3A = arith.constant 16383 : i32
        %and3A_164 = arith.andi %squeeze3A_163, %and3A : i32
        %shift_right_arithmetic3A = arith.constant 14 : i32
        %shift_right_arithmetic3A_165 = arith.shrsi %squeeze3A_163, %shift_right_arithmetic3A : i32
        %and3A_166 = arith.constant 511 : i32
        %and3A_167 = arith.andi %shift_right_arithmetic3A_165, %and3A_166 : i32
        %add3A_168 = vector.broadcast %and3A_167 : i32 to vector<16xi32>
        %add3A_169 = arith.addi %broadcast_in_dim3A_11, %add3A_168 : vector<16xi32>
        %and3A_170 = arith.constant 15 : i32
        %and3A_171 = arith.andi %while3A_159, %and3A_170 : i32
        %ge3A = arith.constant 16 : i32
        %ge3A_172 = arith.cmpi sge, %while3A_159, %ge3A : i32
        %convert_element_type3A_173 = arith.extui %ge3A_172 : i1 to i32
        %cond3A_174 = arith.constant 0 : i32
        %cond3A_175 = arith.cmpi ne, %convert_element_type3A_173, %cond3A_174 : i32
        scf.if %cond3A_175 {
          %dma_wait3A = arith.constant 0 : i32
          %dma_wait3A_216 = arith.constant 0 : i32
          %dma_wait3A_217 = tpu.memref_slice %arg12[%and3A_171, %dma_wait3A_216] : memref<16x64xf32, #tpu.memory_space<vmem>> -> memref<1x64xf32, #tpu.memory_space<vmem>>
          %dma_wait3A_218 = tpu.memref_squeeze %dma_wait3A_217 : memref<1x64xf32, #tpu.memory_space<vmem>> -> memref<64xf32, #tpu.memory_space<vmem>>
          %dma_wait3A_219 = arith.constant 0 : i32
          %dma_wait3A_220 = tpu.memref_slice %arg4[%dma_wait3A, %dma_wait3A_219] : memref<16384x64xf32, #tpu.memory_space<hbm>> -> memref<1x64xf32, #tpu.memory_space<hbm>>
          %dma_wait3A_221 = tpu.memref_squeeze %dma_wait3A_220 : memref<1x64xf32, #tpu.memory_space<hbm>> -> memref<64xf32, #tpu.memory_space<hbm>>
          %dma_wait3A_222 = arith.constant 0 : i32
          %dma_wait3A_223 = tpu.memref_slice %arg12[%and3A_171, %dma_wait3A_222] : memref<16x64xf32, #tpu.memory_space<vmem>> -> memref<1x64xf32, #tpu.memory_space<vmem>>
          %dma_wait3A_224 = tpu.memref_squeeze %dma_wait3A_223 : memref<1x64xf32, #tpu.memory_space<vmem>> -> memref<64xf32, #tpu.memory_space<vmem>>
          %dma_wait3A_225 = arith.constant 0 : i32
          %dma_wait3A_226 = tpu.memref_slice %arg4[%dma_wait3A, %dma_wait3A_225] : memref<16384x64xf32, #tpu.memory_space<hbm>> -> memref<1x64xf32, #tpu.memory_space<hbm>>
          %dma_wait3A_227 = tpu.memref_squeeze %dma_wait3A_226 : memref<1x64xf32, #tpu.memory_space<hbm>> -> memref<64xf32, #tpu.memory_space<hbm>>
          tpu.wait_dma2 semaphore(%arg14 : memref<!tpu.dma_semaphore, #tpu.memory_space<semaphore_mem>>) src(%dma_wait3A_227 : memref<64xf32, #tpu.memory_space<hbm>>) dst(%dma_wait3A_224 : memref<64xf32, #tpu.memory_space<vmem>>)
        } else {
        }
        %add3A_176 = arith.constant 0 : i32
        %add3A_177 = vector.broadcast %add3A_176 : i32 to vector<16xi32>
        %add3A_178 = arith.addi %iota3A, %add3A_177 : vector<16xi32>
        %gather3A = tpu.vector_load_idx %arg11[%add3A_146, %add3A_178, %add3A_169] : memref<2x64x512xf32, #tpu.memory_space<vmem>>[vector<16xi32>, vector<16xi32>, vector<16xi32>], vector<16xf32>,
        %swap3A_179 = arith.index_cast %and3A_171 : i32 to index
        %swap3A_180 = arith.constant 0 : index
        %swap3A_181 = tpu.vector_load %arg12[%swap3A_179, %swap3A_180] {strides = array<i32>} : memref<16x64xf32, #tpu.memory_space<vmem>>, vector<16xf32>,
        tpu.vector_store %arg12[%swap3A_179, %swap3A_180], %gather3A {strides = array<i32>} : memref<16x64xf32, #tpu.memory_space<vmem>>, vector<16xf32>,
        %add3A_182 = arith.constant 16 : i32
        %add3A_183 = vector.broadcast %add3A_182 : i32 to vector<16xi32>
        %add3A_184 = arith.addi %iota3A, %add3A_183 : vector<16xi32>
        %gather3A_185 = tpu.vector_load_idx %arg11[%add3A_146, %add3A_184, %add3A_169] : memref<2x64x512xf32, #tpu.memory_space<vmem>>[vector<16xi32>, vector<16xi32>, vector<16xi32>], vector<16xf32>,
        %swap3A_186 = arith.index_cast %and3A_171 : i32 to index
        %swap3A_187 = arith.constant 16 : index
        %swap3A_188 = tpu.vector_load %arg12[%swap3A_186, %swap3A_187] {strides = array<i32>} : memref<16x64xf32, #tpu.memory_space<vmem>>, vector<16xf32>,
        tpu.vector_store %arg12[%swap3A_186, %swap3A_187], %gather3A_185 {strides = array<i32>} : memref<16x64xf32, #tpu.memory_space<vmem>>, vector<16xf32>,
        %add3A_189 = arith.constant 32 : i32
        %add3A_190 = vector.broadcast %add3A_189 : i32 to vector<16xi32>
        %add3A_191 = arith.addi %iota3A, %add3A_190 : vector<16xi32>
        %gather3A_192 = tpu.vector_load_idx %arg11[%add3A_146, %add3A_191, %add3A_169] : memref<2x64x512xf32, #tpu.memory_space<vmem>>[vector<16xi32>, vector<16xi32>, vector<16xi32>], vector<16xf32>,
        %swap3A_193 = arith.index_cast %and3A_171 : i32 to index
        %swap3A_194 = arith.constant 32 : index
        %swap3A_195 = tpu.vector_load %arg12[%swap3A_193, %swap3A_194] {strides = array<i32>} : memref<16x64xf32, #tpu.memory_space<vmem>>, vector<16xf32>,
        tpu.vector_store %arg12[%swap3A_193, %swap3A_194], %gather3A_192 {strides = array<i32>} : memref<16x64xf32, #tpu.memory_space<vmem>>, vector<16xf32>,
        %add3A_196 = arith.constant 48 : i32
        %add3A_197 = vector.broadcast %add3A_196 : i32 to vector<16xi32>
        %add3A_198 = arith.addi %iota3A, %add3A_197 : vector<16xi32>
        %gather3A_199 = tpu.vector_load_idx %arg11[%add3A_146, %add3A_198, %add3A_169] : memref<2x64x512xf32, #tpu.memory_space<vmem>>[vector<16xi32>, vector<16xi32>, vector<16xi32>], vector<16xf32>,
        %swap3A_200 = arith.index_cast %and3A_171 : i32 to index
        %swap3A_201 = arith.constant 48 : index
        %swap3A_202 = tpu.vector_load %arg12[%swap3A_200, %swap3A_201] {strides = array<i32>} : memref<16x64xf32, #tpu.memory_space<vmem>>, vector<16xf32>,
        tpu.vector_store %arg12[%swap3A_200, %swap3A_201], %gather3A_199 {strides = array<i32>} : memref<16x64xf32, #tpu.memory_space<vmem>>, vector<16xf32>,
        %dma_start3A = arith.constant 0 : i32
        %dma_start3A_203 = tpu.memref_slice %arg12[%and3A_171, %dma_start3A] : memref<16x64xf32, #tpu.memory_space<vmem>> -> memref<1x64xf32, #tpu.memory_space<vmem>>
        %dma_start3A_204 = tpu.memref_squeeze %dma_start3A_203 : memref<1x64xf32, #tpu.memory_space<vmem>> -> memref<64xf32, #tpu.memory_space<vmem>>
        %dma_start3A_205 = arith.constant 0 : i32
        %dma_start3A_206 = tpu.memref_slice %arg4[%and3A_164, %dma_start3A_205] : memref<16384x64xf32, #tpu.memory_space<hbm>> -> memref<1x64xf32, #tpu.memory_space<hbm>>
        %dma_start3A_207 = tpu.memref_squeeze %dma_start3A_206 : memref<1x64xf32, #tpu.memory_space<hbm>> -> memref<64xf32, #tpu.memory_space<hbm>>
        %dma_start3A_208 = arith.constant 0 : i32
        %dma_start3A_209 = tpu.memref_slice %arg4[%and3A_164, %dma_start3A_208] : memref<16384x64xf32, #tpu.memory_space<hbm>> -> memref<1x64xf32, #tpu.memory_space<hbm>>
        %dma_start3A_210 = tpu.memref_squeeze %dma_start3A_209 : memref<1x64xf32, #tpu.memory_space<hbm>> -> memref<64xf32, #tpu.memory_space<hbm>>
        %dma_start3A_211 = arith.constant 0 : i32
        %dma_start3A_212 = tpu.memref_slice %arg12[%and3A_171, %dma_start3A_211] : memref<16x64xf32, #tpu.memory_space<vmem>> -> memref<1x64xf32, #tpu.memory_space<vmem>>
        %dma_start3A_213 = tpu.memref_squeeze %dma_start3A_212 : memref<1x64xf32, #tpu.memory_space<vmem>> -> memref<64xf32, #tpu.memory_space<vmem>>
        tpu.enqueue_dma source(%dma_start3A_213 : memref<64xf32, #tpu.memory_space<vmem>>) target(%dma_start3A_210 : memref<64xf32, #tpu.memory_space<hbm>>) target_semaphore(%arg14 : memref<!tpu.dma_semaphore, #tpu.memory_space<semaphore_mem>>)
        %add3A_214 = arith.constant 1 : i32
        %add3A_215 = arith.addi %while3A_159, %add3A_214 : i32
        scf.yield %add3A_215 : i32
      }
      scf.yield %while3A_157 : i32
    } else {
      scf.yield %while3A_123 : i32
    }
    %scan3A_130 = arith.constant 0 : i32
    %scan3A_131 = arith.constant 0 : i32
    %scan3A_132 = arith.constant 16 : i32
    %scan3A_133 = arith.addi %scan3A_131, %scan3A_132 : i32
    %scan3A_134 = arith.constant 1 : i32
    scf.for %scan3A_136 = %scan3A_131 to %scan3A_133 step %scan3A_134  : i32 {
      %min3A = arith.constant 16 : i32
      %min3A_137 = arith.minsi %cond3A_129, %min3A : i32
      %lt3A = arith.cmpi slt, %scan3A_136, %min3A_137 : i32
      %convert_element_type3A_138 = arith.extui %lt3A : i1 to i32
      %cond3A_139 = arith.constant 0 : i32
      %cond3A_140 = arith.cmpi ne, %convert_element_type3A_138, %cond3A_139 : i32
      scf.if %cond3A_140 {
        %and3A = arith.constant 15 : i32
        %and3A_141 = arith.andi %scan3A_136, %and3A : i32
        %dma_wait3A = arith.constant 0 : i32
        %dma_wait3A_142 = arith.constant 0 : i32
        %dma_wait3A_143 = tpu.memref_slice %arg12[%and3A_141, %dma_wait3A_142] : memref<16x64xf32, #tpu.memory_space<vmem>> -> memref<1x64xf32, #tpu.memory_space<vmem>>
        %dma_wait3A_144 = tpu.memref_squeeze %dma_wait3A_143 : memref<1x64xf32, #tpu.memory_space<vmem>> -> memref<64xf32, #tpu.memory_space<vmem>>
        %dma_wait3A_145 = arith.constant 0 : i32
        %dma_wait3A_146 = tpu.memref_slice %arg4[%dma_wait3A, %dma_wait3A_145] : memref<16384x64xf32, #tpu.memory_space<hbm>> -> memref<1x64xf32, #tpu.memory_space<hbm>>
        %dma_wait3A_147 = tpu.memref_squeeze %dma_wait3A_146 : memref<1x64xf32, #tpu.memory_space<hbm>> -> memref<64xf32, #tpu.memory_space<hbm>>
        %dma_wait3A_148 = arith.constant 0 : i32
        %dma_wait3A_149 = tpu.memref_slice %arg12[%and3A_141, %dma_wait3A_148] : memref<16x64xf32, #tpu.memory_space<vmem>> -> memref<1x64xf32, #tpu.memory_space<vmem>>
        %dma_wait3A_150 = tpu.memref_squeeze %dma_wait3A_149 : memref<1x64xf32, #tpu.memory_space<vmem>> -> memref<64xf32, #tpu.memory_space<vmem>>
        %dma_wait3A_151 = arith.constant 0 : i32
        %dma_wait3A_152 = tpu.memref_slice %arg4[%dma_wait3A, %dma_wait3A_151] : memref<16384x64xf32, #tpu.memory_space<hbm>> -> memref<1x64xf32, #tpu.memory_space<hbm>>
        %dma_wait3A_153 = tpu.memref_squeeze %dma_wait3A_152 : memref<1x64xf32, #tpu.memory_space<hbm>> -> memref<64xf32, #tpu.memory_space<hbm>>
        tpu.wait_dma2 semaphore(%arg14 : memref<!tpu.dma_semaphore, #tpu.memory_space<semaphore_mem>>) src(%dma_wait3A_153 : memref<64xf32, #tpu.memory_space<hbm>>) dst(%dma_wait3A_150 : memref<64xf32, #tpu.memory_space<vmem>>)
      } else {
      }
    }
    %scan3A_135 = arith.constant 16 : i32
    return
  }
}

</mosaic_0001>

<sc_bundles>
// kernel: kernel.3.cloned.1.call-start
scs
__scs_entry_jumppad:
0x0: {  	(pc) =	sbr.rel $0x88, $3  }
0x1: {  	(tag) =	ssettag $0x0;
	lr =	simm.s32 $0x1  }
0x2: {  	[smem:$0x3F9F] =	sst lr;
	_ =	strace $0xD0000000  }
0x3: {  	_ = 	snop  }
0x4: {  	_ = 	snop  }
0x5: {  	_ = 	snop  }
0x6: {  	_ = 	snop  }
0x7: {  	_ = 	snop  }
__scs_overlays_trampoline_lowered:
0x8: {  	[smem:$0x3FAE] =	sst s0  }
0x9: {  	[smem:$0x3FAF] =	sst s1  }
0xa: {  	[smem:$0x3FB0] =	sst s2  }
0xb: {  	[smem:$0x3FB1] =	sst s3  }
0xc: {  	[smem:$0x3FB2] =	sst s4  }
0xd: {  	[smem:$0x3FB3] =	sst s5  }
0xe: {  	[smem:$0x3FB4] =	sst s6  }
0xf: {  	[smem:$0x3FB5] =	sst s7  }
0x10: {  	[smem:$0x3FB6] =	sst s8  }
0x11: {  	[smem:$0x3FB7] =	sst s9;
	s0 =	simm.s32 @!p0 $0x0  }
0x12: {  	s1 =	sld [smem:$0x3F9D];
	s0 =	simm.s32 @p0 $0x1  }
0x13: {  	[smem:$0x3FB8] =	sst s0;
	s0 =	simm.s32 @!p1 $0x0  }
0x14: {  	s2 =	sld [smem:$0x3F9C];
	s0 =	simm.s32 @p1 $0x1  }
0x15: {  	[smem:$0x3FB9] =	sst s0;
	s0 =	simm.s32 @!p2 $0x0  }
0x16: {  	s3 =	sld [smem:$0x3FDB];
	s0 =	simm.s32 @p2 $0x1  }
0x17: {  	s4 =	simm.s32 $0x1BF5;
	[smem:$0x3FBB] =	sst s0  }
0x18: {  	s0 =	sld [smem:$0x3F9E];
	_ =	swait.ge [sflag:s4], $0x0  }
0x19: {  	s7 =	sld [smem:$0x3F9F]  }
0x1a: {  	s8 =	sadd.s32 $0xFFFFE003, lr  }
0x1b: {  	s9 =	sadd.s32 $0xFFFFFEF7, lr;
	s5 =	simm.s32 $0xFFFFFFFF;
	p2 =	slt.u32 s8, $0xFFFFF086  }
0x1c: {  	p1 =	slt.u32 s9, $0xF7A;
	s5 =	simm.s32 @!p2 $0x0  }
0x1d: {  	s5 =	simm.s32 @p1 $0x1;
	p0 =	seq.s32 s7, s2  }
0x1e: {  	s7 =	smul.u32 @!p0 $0xF7A, s2;
	p2 =	seq.s32 @!p0 s5, $0x0  }
0x1f: {  	s9 =	smul.u32 $0xF7A, s1;
	s8 =	simm.s32 @!p0 $0x1BF5;
	p2 =	por !p2, p0  }
0x20: {  	[sflag:s8] =	ssyncset.s32 @!p0 $0xFFFFF086;
	s6 =	sadd.s32 @!p0 s3, s7;
	s7 =	simm.s32 @!p0 $0x108  }
0x21: {  	s3 =	sadd.s32 s3, s9;
	s6 =	sadd.s32 @!p0 $0x88, s6;
	s7 =	simm.s32 @p2 $0x1082  }
0x22: {  	[simem:s7], [sflag:s8] =	dma.local @!p0 [hbm:s6], $0xF7A  }
0x23: {  	s9 =	sor.u32 $0xD0000000, s2;
	s6 =	simm.s32 $0x108;
	_ =	swait.ge @!p0 [sflag:s8], $0x0  }
0x24: {  	s3 =	sadd.s32 $0x88, s3;
	s6 =	simm.s32 @!p1 $0x1082;
	[sflag:s4] =	ssyncset.s32 $0xFFFFF086  }
0x25: {  	[simem:s6], [sflag:s4] =	dma.local [hbm:s3], $0xF7A  }
0x26: {  	[smem:$0x3F9F] =	sst s1;
	(tag) =	ssettag s2;
	_ =	strace s9  }
0x27: {  	s1 =	sld [smem:$0x3FAF]  }
0x28: {  	s2 =	sld [smem:$0x3FB0]  }
0x29: {  	s4 =	sld [smem:$0x3FB2]  }
0x2a: {  	p0 =	seq.s32 s5, $0x0;
	s5 =	sld [smem:$0x3FB3]  }
0x2b: {  	s6 =	sld [smem:$0x3FB4]  }
0x2c: {  	s7 =	sld [smem:$0x3FB5]  }
0x2d: {  	s3 =	simm.s32 $0x108;
	s8 =	sld [smem:$0x3FB6]  }
0x2e: {  	s3 =	simm.s32 @!p0 $0x1082;
	s9 =	sld [smem:$0x3FB7]  }
0x2f: {  	lr =	sadd.s32 s0, s3;
	s0 =	sld [smem:$0x3FAE]  }
0x30: {  	s3 =	sld [smem:$0x3FB1]  }
0x31: {  	[smem:$0x3FBA] =	sst s10  }
0x32: {  	s10 =	sld [smem:$0x3FB8];
	_ =	sdelay $0x3  }
0x33: {  	p0 =	seq.s32 s10, $0x1;
	s10 =	sld [smem:$0x3FBA];
	_ =	sdelay $0x3  }
0x34: {  	[smem:$0x3FBA] =	sst s10  }
0x35: {  	s10 =	sld [smem:$0x3FB9];
	_ =	sdelay $0x3  }
0x36: {  	p1 =	seq.s32 s10, $0x1;
	s10 =	sld [smem:$0x3FBA];
	_ =	sdelay $0x3  }
0x37: {  	[smem:$0x3FBA] =	sst s10  }
0x38: {  	s10 =	sld [smem:$0x3FBB]  }
0x39: {  	_ = 	snop;
	(pc) =	sbr.ind lr, $3  }
0x3a: {  	_ = 	snop  }
0x3b: {  	_ = 	snop  }
0x3c: {  	p2 =	seq.s32 s10, $0x1;
	s10 =	sld [smem:$0x3FBA]  }
0x3d: {  	_ =	shalt  }
0x3e: {  	_ =	shalt  }
0x3f: {  	_ =	shalt  }
0x40: {  	_ =	shalt  }
0x41: {  	_ =	shalt  }
0x42: {  	_ =	shalt  }
0x43: {  	_ =	shalt  }
0x44: {  	_ =	shalt  }
0x45: {  	_ =	shalt  }
0x46: {  	_ =	shalt  }
0x47: {  	_ =	shalt  }
0x48: {  	_ =	shalt  }
0x49: {  	_ =	shalt  }
0x4a: {  	_ =	shalt  }
0x4b: {  	_ =	shalt  }
0x4c: {  	_ =	shalt  }
0x4d: {  	_ =	shalt  }
0x4e: {  	_ =	shalt  }
0x4f: {  	_ =	shalt  }
0x50: {  	_ =	shalt  }
0x51: {  	_ =	shalt  }
0x52: {  	_ =	shalt  }
0x53: {  	_ =	shalt  }
0x54: {  	_ =	shalt  }
0x55: {  	_ =	shalt  }
0x56: {  	_ =	shalt  }
0x57: {  	_ =	shalt  }
0x58: {  	_ =	shalt  }
0x59: {  	_ =	shalt  }
0x5a: {  	_ =	shalt  }
0x5b: {  	_ =	shalt  }
0x5c: {  	_ =	shalt  }
0x5d: {  	_ =	shalt  }
0x5e: {  	_ =	shalt  }
0x5f: {  	_ =	shalt  }
0x60: {  	_ =	shalt  }
0x61: {  	_ =	shalt  }
0x62: {  	_ =	shalt  }
0x63: {  	_ =	shalt  }
0x64: {  	_ =	shalt  }
0x65: {  	_ =	shalt  }
0x66: {  	_ =	shalt  }
0x67: {  	_ =	shalt  }
0x68: {  	_ =	shalt  }
0x69: {  	_ =	shalt  }
0x6a: {  	_ =	shalt  }
0x6b: {  	_ =	shalt  }
0x6c: {  	_ =	shalt  }
0x6d: {  	_ =	shalt  }
0x6e: {  	_ =	shalt  }
0x6f: {  	_ =	shalt  }
0x70: {  	_ =	shalt  }
0x71: {  	_ =	shalt  }
0x72: {  	_ =	shalt  }
0x73: {  	_ =	shalt  }
0x74: {  	_ =	shalt  }
0x75: {  	_ =	shalt  }
0x76: {  	_ =	shalt  }
0x77: {  	_ =	shalt  }
0x78: {  	_ =	shalt  }
0x79: {  	_ =	shalt  }
0x7a: {  	_ =	shalt  }
0x7b: {  	_ =	shalt  }
0x7c: {  	_ =	shalt  }
0x7d: {  	_ =	shalt  }
0x7e: {  	_ =	shalt  }
0x7f: {  	_ =	shalt  }
0x80: {  	_ =	shalt  }
0x81: {  	_ =	shalt  }
0x82: {  	_ =	shalt  }
0x83: {  	_ =	shalt  }
0x84: {  	_ =	shalt  }
0x85: {  	_ =	shalt  }
0x86: {  	_ =	shalt  }
0x87: {  	_ =	shalt  }
.Lfunc_end0:
.L_simem_size_0:
called_computation_lowered:
.L_overlay_start_0:
0x88: {  	s2 =	sld [smem:$0x3FD9]  }
0x89: {  	s3 =	sld [smem:$0x3FFE];
	_ =	sdelay $0x1  }
0x8a: {  	s1 =	srdreg.scid  }
0x8b: {  	s0 =	sand.u32 $0x1, s1  }
0x8c: {  	s17 =	sshll.u32 s0, $0xA;
	s2 =	sadd.s32 s3, s2  }
0x8d: {  	s2 =	sadd.s32 s2, s17  }
0x8e: {  	[smem:$0x3FC6] =	sst s2  }
0x8f: {  	_ = 	snop  }
0x90: {  	s2 =	sld [smem:$0x3FC9]  }
0x91: {  	s18 =	sld [smem:$0x3FC8];
	(tm) =	ssettm $0x1  }
0x92: {  	s4 =	sld [smem:$0x3FFB];
	_ =	sdelay $0x3  }
0x93: {  	_ =	strace s4  }
0x94: {  	s4 =	sld [smem:$0x3FFC];
	_ =	sdelay $0x3  }
0x95: {  	_ =	strace s4  }
0x96: {  	s4 =	sld [smem:$0x3FFD];
	_ =	sdelay $0x3  }
0x97: {  	_ =	strace s4  }
0x98: {  	_ =	strace $0x8FFFFFFF  }
0x99: {  	s19 =	sld [smem:$0x3FDB];
	_ =	sdelay $0x1  }
0x9a: {  	s5 =	simm.s32 $_scs_section_size  }
0x9b: {  	s6 =	simm.s32 $_size__tile_overlayer_lowered;
	s7 =	simm.s32 $_tile_overlayer_lowered  }
0x9c: {  	s22 =	simm.s32 $0x1BFF;
	s21 =	sshll.u32 s7, $0x1;
	s4 =	sadd.s32 s5, s19  }
0x9d: {  	s8 =	simm.s32 $0x0;
	s20 =	sshll.u32 s6, $0x1;
	s6 =	sadd.s32 s21, s4  }
0x9e: {  	[timem:s8], [sflag:s22] =	dma.local [hbm:s6], s20  }
0x9f: {  	_ =	swait.ge [sflag:s22], s20  }
0xa0: {  	s5 =	ssub.s32 $0x0, s20;
	[sflag:s22] =	ssyncset.done $0x0  }
0xa1: {  	[sflag:s22] =	ssyncadd.s32 s5;
	_ =	sdelay $0x1  }
0xa2: {  	s23 =	simm.s32 $0x1B8B  }
0xa3: {  	_ =	swait.ge [sflag:s23], $0x1  }
0xa4: {  	[sflag:s23] =	ssyncset.done $0x0  }
0xa5: {  	s25 =	simm.s32 $0x1B8E;
	s24 =	sld [smem:$0x3FFE];
	[sflag:s23] =	ssyncadd.s32 $0xFFFFFFFF  }
0xa6: {  	s26 =	simm.s32 $execute0_lowered;
	[smem:$0x3FD2] =	sst s25  }
0xa7: {  	s6 =	sshll.u32 s26, $0x1;
	_ =	strace $0x80000046;
	[dreg:$0x1] =	wrdreg $0xFFFFFFFF  }
0xa8: {  	s28 =	simm.s32 $_size_execute0_lowered;
	s4 =	sadd.s32 s4, s6;
	[dreg:$0x0] =	wrdreg $0x0  }
0xa9: {  	s6 =	sshll.u32 s28, $0x1;
	[dreg:$0x2] =	wrdreg s4  }
0xaa: {  	[dreg:$0x3] =	wrdreg s6  }
0xab: {  	[dreg:$0x4] =	wrdreg $0xC0  }
0xac: {  	_ =	task [dreg:s8], $0x5FFFF  }
0xad: {  	[dreg:$0x1] =	wrdreg $0xFFFFFFFF  }
0xae: {  	[dreg:$0x0] =	wrdreg $0x60  }
0xaf: {  	[dreg:$0x2] =	wrdreg s2  }
0xb0: {  	[dreg:$0x3] =	wrdreg s18  }
0xb1: {  	[dreg:$0x4] =	wrdreg s24  }
0xb2: {  	[dreg:$0x5] =	wrdreg $0x9  }
0xb3: {  	_ =	task.clear_ibuf [dreg:s8], $0x6FFFF;
	_ =	strace $0x90000046  }
0xb4: {  	s29 =	simm.s32 $0x9;
	_ =	strace $0x80000048  }
0xb5: {  	_ =	swait.ge [sflag:s29], $0x1  }
0xb6: {  	[sflag:s29] =	ssyncadd.s32 $0xFFFFFFFF  }
0xb7: {  	_ =	strace $0x90000048  }
0xb8: {  	_ =	sfence  }
0xb9: {  	s30 =	sld [smem:$0x0];
	_ =	sdelay $0x2  }
0xba: {  	s31 =	sshll.u32 s1, $0xD;
	s1 =	sshrl.u32 s1, $0x2  }
0xbb: {  	s3 =	sand.u32 $0x4000, s31;
	s1 =	sadd.s32 s1, s30  }
0xbc: {  	s0 =	sor.u32 s3, s0;
	s1 =	sshll.u32 s1, $0x11  }
0xbd: {  	s0 =	sor.u32 s1, s0  }
0xbe: {  	s0 =	sadd.s32 $0x8F2B, s0  }
0xbf: {  	[sflag:s0] =	ssyncadd.remote.s32 $0x1  }
0xc0: {  	_ =	sfence.sel $0xFFFF  }
0xc1: {  	[dreg:$0x0] =	wrdreg $0xFFFFFFFF;
	(pc) =	sbr.abs _section_cstart, $3  }
0xc2: {  	[dreg:$0x1] =	wrdreg $0xFFFFFFFF  }
0xc3: {  	_ =	task.clear_ibuf [dreg:s8], $0x2FFFF;
	_ =	strace $0x9FFFFFFF  }
0xc4: {  	(tm) =	ssettm $0x7FFFFFFF  }
0xc5: {  	_ =	shalt  }
tec
execute0_lowered:
.L_overlay_start_1:
0x0: {  	(tag) =	ssettag $0x1  }
0x1: {  	v0 =	vimm.s32 $0x1380;
	vm14 =	vcmask $0x300  }
0x2: {  	vm13 =	vcmask $0x704;
	vm12 =	vcmask $0xB08;
	vm11 =	vcmask $0xF0C  }
0x3: {  	vm10 =	vcmask $0x1310;
	vm9 =	vcmask $0x1714;
	vm8 =	vcmask $0x1B18  }
0x4: {  	vm7 =	vcmask $0x1F1C;
	vm6 =	vcmask $0x2320;
	vm5 =	vcmask $0x2724  }
0x5: {  	vm4 =	vcmask $0x2B28;
	vm3 =	vcmask $0x2F2C;
	vm2 =	vcmask $0x3330  }
0x6: {  	vm0 =	vcmask $0x3734;
	vm1 =	vcmask $0x3B38;
	v3 =	vimm.s32 $0x0  }
0x7: {  	v5 =	vimm.s32 $0x3380;
	v6 =	vimm.s32 $0x5380;
	v7 =	vimm.s32 $0x7380  }
0x8: {  	v0 =	vsel vm14, $0x0, v0;
	v5 =	vsel vm14, $0x2000, v5;
	v6 =	vsel vm14, $0x4000, v6  }
0x9: {  	v7 =	vsel vm14, $0x6000, v7;
	v0 =	vsel vm13, $0x80, v0;
	v5 =	vsel vm13, $0x2080, v5  }
0xa: {  	v6 =	vsel vm13, $0x4080, v6;
	v7 =	vsel vm13, $0x6080, v7;
	v0 =	vsel vm12, $0x100, v0  }
0xb: {  	v5 =	vsel vm12, $0x2100, v5;
	v6 =	vsel vm12, $0x4100, v6;
	v7 =	vsel vm12, $0x6100, v7  }
0xc: {  	v0 =	vsel vm11, $0x180, v0;
	v5 =	vsel vm11, $0x2180, v5;
	v6 =	vsel vm11, $0x4180, v6  }
0xd: {  	v7 =	vsel vm11, $0x6180, v7;
	v0 =	vsel vm10, $0x200, v0;
	v5 =	vsel vm10, $0x2200, v5  }
0xe: {  	v6 =	vsel vm10, $0x4200, v6;
	v7 =	vsel vm10, $0x6200, v7;
	v0 =	vsel vm9, $0x280, v0  }
0xf: {  	v5 =	vsel vm9, $0x2280, v5;
	v6 =	vsel vm9, $0x4280, v6;
	v7 =	vsel vm9, $0x6280, v7  }
0x10: {  	s0 =	srdreg.scid;
	s1 =	stileid.u32;
	s2 =	simm.s32 $0xF9;
	v0 =	vsel vm8, $0x300, v0;
	v5 =	vsel vm8, $0x2300, v5;
	v6 =	vsel vm8, $0x4300, v6  }
0x11: {  	s30 =	rddreg [dreg:$0x2];
	s7 =	simm.s32 $0x3E;
	s11 =	simm.s32 $0x1000;
	v7 =	vsel vm8, $0x6300, v7;
	v0 =	vsel vm7, $0x380, v0;
	v5 =	vsel vm7, $0x2380, v5  }
0x12: {  	s4 =	simm.s32 $0x0;
	s13 =	simm.s32 $0x7A1400;
	s14 =	simm.s32 $0xC280;
	v6 =	vsel vm7, $0x4380, v6;
	v7 =	vsel vm7, $0x6380, v7;
	v0 =	vsel vm6, $0x1000, v0  }
0x13: {  	s16 =	simm.s32 $0x3;
	s0 =	sand.u32 $0x1, s0;
	s1 =	sshll.u32 s1, $0x1;
	v5 =	vsel vm6, $0x3000, v5;
	v6 =	vsel vm6, $0x5000, v6;
	v7 =	vsel vm6, $0x7000, v7  }
0x14: {  	s17 =	simm.s32 $0xC100;
	s18 =	simm.s32 $0xC200;
	s3 =	sor.u32 s0, s1;
	v0 =	vsel vm5, $0x1080, v0;
	v5 =	vsel vm5, $0x3080, v5;
	v6 =	vsel vm5, $0x5080, v6  }
0x15: {  	s19 =	simm.s32 $0x8080;
	p0 =	seq.s32 s3, $0x1F;
	s1 =	smul.u32 $0xF4, s3;
	v7 =	vsel vm5, $0x7080, v7;
	v0 =	vsel vm4, $0x1100, v0;
	v5 =	vsel vm4, $0x3100, v5  }
0x16: {  	s20 =	simm.s32 $0x1;
	s21 =	simm.s32 $0x2;
	s2 =	simm.s32 @!p0 $0xF4;
	v6 =	vsel vm4, $0x5100, v6;
	v7 =	vsel vm4, $0x7100, v7;
	v1 =	vsel vm3, $0x1180, v0  }
0x17: {  	s22 =	simm.s32 $0x0;
	s5 =	smul.u32 $0x3D000, s3;
	v0 =	vmov s1;
	s1 =	sadd.s32 s1, s2;
	v5 =	vsel vm3, $0x3180, v5;
	v6 =	vsel vm3, $0x5180, v6  }
.Ltmp0:
0x18: {  	[smem:$0x7FF] =	sst s4;
	s0 =	ssub.s32 $0x2, s0;
	v7 =	vsel vm3, $0x7180, v7;
	v2 =	vsel vm2, $0x1200, v1;
	v1 =	vmov s1;
	(pc) =	sbr.rel .LBB2_1-.Ltmp0, $4  }
0x19: {  	s6 =	sadd.s32 $0x400, s30;
	s31 =	sshrl.u32 s0, $0x1;
	p6 =	sne.s32 s3, $0x1F;
	v5 =	vsel vm2, $0x3200, v5;
	v6 =	vsel vm2, $0x5200, v6;
	v7 =	vsel vm2, $0x7200, v7  }
0x1a: {  	s0 =	ssub.s32 s0, s31;
	s8 =	sshrl.u32 s5, $0x3;
	s2 =	rddreg [dreg:$0x1];
	v4 =	vsel vm0, $0x1280, v2;
	v2 =	vlaneseq.u32;
	v5 =	vsel vm0, $0x3280, v5  }
0x1b: {  	s7 =	simm.s32 @!p0 $0x3D;
	_ =	strace $0x80000047;
	s8 =	sadd.s32 s2, s8;
	v6 =	vsel vm0, $0x5280, v6;
	v7 =	vsel vm0, $0x7280, v7;
	v4 =	vsel vm1, $0x1300, v4  }
0x1c: {  	s12 =	smax.u32 s0, $0x1;
	s9 =	sadd.s32 $0xF4200, s2;
	s10 =	sadd.s32 $0x200, s8;
	v5 =	vsel vm1, $0x3300, v5;
	v6 =	vsel vm1, $0x5300, v6;
	v7 =	vsel vm1, $0x7300, v7  }
.LBB2_23:
0x1d: {  	s22 =	sadd.s32 $0x1, s22  }
0x1e: {  	p0 =	sne.s32 s22, s12  }
.Ltmp1:
0x1f: {  	_ = 	snop;
	(pc) =	sbr.rel @!p0 .LBB2_24-.Ltmp1, $1  }
0x20: {  	_ =	sdelay $0x3  }
.LBB2_1:
0x21: {  	[tilespmem:s14], [sflag:$0x1] =	stream.strided.gather [hbm4b:s8+s11], $0x8000, s13, s11, $0x38;
	[tilespmem:$0x1CA80] =	vst v63  }
0x22: {  	s0 =	simm.s32 $0x14280  }
0x23: {  	[tilespmem:s0], [sflag:$0x1] =	stream.strided.gather [hbm4b:s10+s11], $0x8000, s13, s11, $0x38;
	[tilespmem:$0x1CA80] =	vst v63  }
0x24: {  	s31 =	rddreg [dreg:$0x0]  }
0x25: {  	[tilespmem:s4], [sflag:$0x3] =	stream.linear.gather [hbm4b:s31+s4], $0x4000, $0x38;
	[tilespmem:$0x1CA80] =	vst v63  }
0x26: {  	_ =	swait.ge [sflag:s16], $0x4000  }
0x27: {  	[sflag:s16] =	ssyncset.done $0x0  }
0x28: {  	[sflag:s16] =	ssyncadd.s32 $0xFFFFC000  }
0x29: {  	v8 =	vld [tilespmem:s4+$0x0];
	_ =	sdelay $0x4  }
0x2a: {  	v9 =	vshra.s32 v8, $0x7  }
0x2b: {  	vm0 =	vge.s32 v9, v0;
	vm1 =	vlt.s32 v9, v1  }
0x2c: {  	vm0 =	vmand vm0, vm1  }
0x2d: {  	v10 =	vmpcnt.ones.xlane vm0  }
0x2e: {  	v8 =	vshll.u32 v8, $0xE;
	v9 =	vsub.s32 v9, v0  }
0x2f: {  	v8 =	vand.u32 $0x7FC000, v8;
	v9 =	vshll.u32 v9, $0x15;
	(v2sf) =	vpush v10, $0x0  }
0x30: {  	v8 =	vor.u32 s4, v8;
	v9 =	vand.u32 $0xFF800000, v9  }
0x31: {  	v8 =	vor.u32 v9, v8  }
0x32: {  	v8 =	vor.u32 v2, v8  }
0x33: {  	s0 =	simm.s32 $0x10;
	[tilespmem:s4+$0x4000] =	vst.msk vm0, v8  }
0x34: {  	v8 =	vld [tilespmem:s0+$0x0];
	_ =	sdelay $0x4  }
0x35: {  	v9 =	vshra.s32 v8, $0x7;
	v8 =	vshll.u32 v8, $0xE  }
0x36: {  	vm0 =	vge.s32 v9, v0;
	vm1 =	vlt.s32 v9, v1;
	v9 =	vsub.s32 v9, v0  }
0x37: {  	v8 =	vand.u32 $0x7FC000, v8;
	vm0 =	vmand vm0, vm1;
	v9 =	vshll.u32 v9, $0x15  }
0x38: {  	v8 =	vor.u32 s0, v8;
	v9 =	vand.u32 $0xFF800000, v9;
	v10 =	vmpcnt.ones.xlane vm0  }
0x39: {  	v8 =	vor.u32 v9, v8  }
0x3a: {  	s3 =	simm.s32 $0x20;
	s23 =	simm.s32 $0x0;
	v8 =	vor.u32 v2, v8;
	(v2sf) =	vpush v10, $0x0;
	s1 =	spop (v2sf)  }
.LBB2_2:
0x3b: {  	p1 =	sne.s32 s3, $0x3FF0  }
0x3c: {  	s23 =	sadd.s32 s23, s1;
	s1 =	smov.u32 s3;
	s3 =	sadd.s32 $0x10, s3  }
0x3d: {  	s0 =	sadd.s32 $0x10, s0;
	[tilespmem:s23+$0x4000] =	vst.msk vm0, v8  }
0x3e: {  	v8 =	vld [tilespmem:s0+$0x0];
	_ =	sdelay $0x4  }
0x3f: {  	v9 =	vshra.s32 v8, $0x7;
	v8 =	vshll.u32 v8, $0xE  }
0x40: {  	vm0 =	vge.s32 v9, v0;
	vm1 =	vlt.s32 v9, v1;
	v9 =	vsub.s32 v9, v0  }
.Ltmp2:
0x41: {  	v8 =	vand.u32 $0x7FC000, v8;
	vm0 =	vmand vm0, vm1;
	v9 =	vshll.u32 v9, $0x15;
	(pc) =	sbr.rel @p1 .LBB2_2-.Ltmp2, $4  }
0x42: {  	v8 =	vor.u32 s1, v8;
	v9 =	vand.u32 $0xFF800000, v9;
	v10 =	vmpcnt.ones.xlane vm0  }
0x43: {  	v8 =	vor.u32 v9, v8  }
0x44: {  	v8 =	vor.u32 v2, v8;
	(v2sf) =	vpush v10, $0x0  }
0x45: {  	s1 =	spop (v2sf)  }
0x46: {  	_ =	sdelay $0xc  }
0x47: {  	s0 =	sadd.s32 s23, s1;
	s1 =	spop (v2sf)  }
0x48: {  	s3 =	sadd.s32 s0, s1  }
0x49: {  	[tilespmem:s0+$0x4000] =	vst.msk vm0, v8;
	p1 =	slt.s32 s3, $0x1  }
.Ltmp3:
0x4a: {  	[tilespmem:$0xC100] =	vst v3;
	(pc) =	sbr.rel @p1 .LBB2_7-.Ltmp3, $4  }
0x4b: {  	[tilespmem:$0xC110] =	vst v3  }
0x4c: {  	[tilespmem:$0xC120] =	vst v3  }
0x4d: {  	[tilespmem:$0xC130] =	vst v3  }
0x4e: {  	[tilespmem:$0xC140] =	vst v3;
	s23 =	sadd.s32 s0, s1  }
0x4f: {  	s1 =	sadd.s32 s0, s1  }
0x50: {  	p2 =	sne.s32 s1, $0x1  }
.Ltmp4:
0x51: {  	_ = 	snop;
	(pc) =	sbr.rel @!p2 .LBB2_6-.Ltmp4, $3  }
0x52: {  	_ =	sdelay $0x1  }
0x53: {  	s0 =	simm.s32 $0x4000  }
0x54: {  	v8 =	vld [tilespmem:s0+$0x0];
	s3 =	sadd.s32 $0xFFFFFFFF, s1  }
.LBB2_5:
0x55: {  	p2 =	sne.s32 s3, $0x1;
	_ =	sdelay $0x3  }
0x56: {  	(v2sf) =	vpush v8, $0x0;
	_ =	sdelay $0xe  }
0x57: {  	s1 =	spop (v2sf)  }
0x58: {  	s1 =	sshra.s32 s1, $0x17  }
0x59: {  	v8 =	vmov s1;
	_ =	sdelay $0x4  }
0x5a: {  	v9 =	vld.idx.msk [tilespmem:v8+s17+$0x0], $0xffff;
	_ =	sdelay $0x3  }
.Ltmp5:
0x5b: {  	(pc) =	sbr.rel @p2 .LBB2_5-.Ltmp5, $4  }
0x5c: {  	_ = 	snop  }
0x5d: {  	v9 =	vadd.s32 $0x1, v9  }
0x5e: {  	s0 =	sadd.s32 $0x1, s0;
	[tilespmem:v8+s17+$0x0] =	vst.idx.msk $0x1, v9  }
0x5f: {  	s3 =	sadd.s32 $0xFFFFFFFF, s3;
	v8 =	vld [tilespmem:s0+$0x0]  }
.LBB2_6:
0x60: {  	_ =	sdelay $0x3  }
0x61: {  	(v2sf) =	vpush v8, $0x0;
	_ =	sdelay $0xe  }
0x62: {  	s0 =	spop (v2sf)  }
0x63: {  	s0 =	sshra.s32 s0, $0x17  }
0x64: {  	v8 =	vmov s0;
	_ =	sdelay $0x4  }
0x65: {  	v9 =	vld.idx.msk [tilespmem:v8+s17+$0x0], $0xffff;
	_ =	sdelay $0x4  }
0x66: {  	v9 =	vadd.s32 $0x1, v9  }
0x67: {  	[tilespmem:v8+s17+$0x0] =	vst.idx.msk $0x1, v9  }
.LBB2_7:
0x68: {  	v8 =	vld [tilespmem:$0xC100]  }
0x69: {  	v9 =	vld [tilespmem:$0xC110];
	_ =	sdelay $0x1  }
0x6a: {  	v10 =	vld [tilespmem:$0xC120];
	_ =	sdelay $0x1  }
0x6b: {  	(xrf0) =	vadd.scan.msk.s32 $0xffff, v8  }
0x6c: {  	(xrf0) =	vadd.scan.msk.s32 $0xffff, v9;
	_ =	sdelay $0x1  }
0x6d: {  	(xrf0) =	vadd.scan.msk.s32 $0xffff, v10;
	_ =	sdelay $0x2  }
0x6e: {  	v11, _, _ =	vpop (xrf0)  }
0x6f: {  	v12, _, _ =	vpop (xrf0);
	(v2sf) =	vpush v11, $0xF  }
0x70: {  	(v2sf) =	vpush v12, $0xF  }
0x71: {  	v13, _, _ =	vpop (xrf0)  }
0x72: {  	(v2sf) =	vpush v13, $0xF;
	_ =	sdelay $0x3  }
0x73: {  	v14 =	vld [tilespmem:$0xC130];
	_ =	sdelay $0x4  }
0x74: {  	(xrf0) =	vadd.scan.msk.s32 $0xffff, v14;
	_ =	sdelay $0x1  }
0x75: {  	v8 =	vsub.s32 v11, v8;
	v11 =	vbroadcast v11, $0xF  }
0x76: {  	v9 =	vsub.s32 v12, v9;
	[tilespmem:$0xC180] =	vst v8;
	s0 =	spop (v2sf)  }
0x77: {  	[tilespmem:$0xC200] =	vst v8;
	v8 =	vadd.s32 v11, v9;
	s1 =	spop (v2sf)  }
0x78: {  	v62 =	vsub.s32 v13, v10;
	[tilespmem:$0xC190] =	vst v8;
	s0 =	sadd.s32 s0, s1  }
.Ltmp6:
0x79: {  	[tilespmem:$0xC210] =	vst v8;
	v63, _, _ =	vpop (xrf0);
	s31 =	spop (v2sf);
	v8 =	vadd.s32 s0, v62;
	(pc) =	sbr.rel @p1 .LBB2_10-.Ltmp6, $4  }
0x7a: {  	v9 =	vsub.s32 v63, v14;
	s0 =	sadd.s32 s0, s31;
	[tilespmem:$0xC1A0] =	vst v8  }
0x7b: {  	[tilespmem:$0xC220] =	vst v8;
	v8 =	vadd.s32 s0, v9  }
0x7c: {  	[tilespmem:$0xC1B0] =	vst v8  }
0x7d: {  	[tilespmem:$0xC230] =	vst v8  }
0x7e: {  	s0 =	simm.s32 $0x4000  }
.LBB2_9:
0x7f: {  	v8 =	vld [tilespmem:s0+$0x0];
	_ =	sdelay $0x4  }
0x80: {  	(v2sf) =	vpush v8, $0x0;
	_ =	sdelay $0xe  }
0x81: {  	s1 =	spop (v2sf)  }
0x82: {  	s1 =	sshra.s32 s1, $0x17  }
0x83: {  	v9 =	vmov s1;
	_ =	sdelay $0x4  }
0x84: {  	v10 =	vld.idx.msk [tilespmem:v9+s18+$0x0], $0xffff;
	_ =	sdelay $0x3  }
0x85: {  	p1 =	sne.s32 s23, $0x1  }
.Ltmp7:
0x86: {  	_ = 	snop;
	(pc) =	sbr.rel @p1 .LBB2_9-.Ltmp7, $3  }
0x87: {  	v8 =	vbroadcast v8, $0x0;
	_ =	sdelay $0x1  }
0x88: {  	[tilespmem:v10+s19+$0x0] =	vst.idx.msk $0x1, v8;
	v8 =	vadd.s32 $0x1, v10  }
0x89: {  	s0 =	sadd.s32 $0x1, s0;
	s23 =	sadd.s32 $0xFFFFFFFF, s23;
	[tilespmem:v9+s18+$0x0] =	vst.idx.msk $0x1, v8  }
.LBB2_10:
.Ltmp8:
0x8a: {  	(pc) =	sbr.rel .LBB2_11-.Ltmp8, $2  }
0x8b: {  	_ =	sdelay $0x2  }
0x8c: {  	s26 =	simm.s32 $0x0;
	s28 =	simm.s32 $0x0  }
.LBB2_14:
0x8d: {  	[hbm4b:s0+s4] =	stream.linear.scatter [tilespmem:s1], [sflag:$0x2], $0x80, $0x38;
	[tilespmem:$0x1CA80] =	vst v63  }
.LBB2_15:
0x8e: {  	s0 =	sadd.s32 $0x2, s28  }
0x8f: {  	p1 =	sge.u32 s0, s7  }
0x90: {  	s0 =	sshll.u32 @!p1 s0, $0xC  }
0x91: {  	s1 =	sshll.u32 @!p1 s28, $0xF;
	s3 =	simm.s32 @!p1 $0x1000;
	s0 =	sadd.s32 @!p1 s5, s0  }
0x92: {  	s15 =	simm.s32 @!p1 $0x7A1400;
	s1 =	sand.u32 @!p1 $0x8000, s1;
	s0 =	sshrl.u32 @!p1 s0, $0x3  }
0x93: {  	s28 =	sadd.s32 $0x1, s28;
	s1 =	sadd.s32 @!p1 $0xC280, s1;
	s0 =	sadd.s32 @!p1 s2, s0  }
0x94: {  	[tilespmem:s1], [sflag:$0x1] =	stream.strided.gather @!p1 [hbm4b:s0+s3], $0x8000, s15, s3, $0x38;
	[tilespmem:$0x1CA80] =	vst v63  }
0x95: {  	p1 =	sne.s32 s28, s7  }
.Ltmp9:
0x96: {  	_ = 	snop;
	(pc) =	sbr.rel @!p1 .LBB2_16-.Ltmp9, $1  }
0x97: {  	_ =	sdelay $0x3  }
.LBB2_11:
0x98: {  	_ =	swait.ge [sflag:s20], $0x8000  }
0x99: {  	[sflag:s20] =	ssyncset.done $0x0  }
0x9a: {  	[sflag:s20] =	ssyncadd.s32 $0xFFFF8000  }
0x9b: {  	v8 =	vld [tilespmem:s28+$0xC180]  }
0x9c: {  	v9 =	vld [tilespmem:s28+$0xC100];
	_ =	sdelay $0x3  }
0x9d: {  	(v2sf) =	vpush v8, $0x0  }
0x9e: {  	(v2sf) =	vpush v9, $0x0;
	_ =	sdelay $0xd  }
0x9f: {  	s23 =	spop (v2sf)  }
0xa0: {  	s0 =	spop (v2sf)  }
0xa1: {  	s24 =	sadd.s32 s23, s0  }
0xa2: {  	p1 =	sge.s32 s23, s24  }
.Ltmp10:
0xa3: {  	_ = 	snop;
	(pc) =	sbr.rel @p1 .LBB2_15-.Ltmp10, $2  }
0xa4: {  	_ =	sdelay $0x2  }
0xa5: {  	s25 =	smov.u32 s26  }
0xa6: {  	s1 =	sshll.u32 s23, $0x2  }
0xa7: {  	s1 =	sshra.s32 s1, $0x2  }
0xa8: {  	s1 =	sadd.s32 $0x8080, s1  }
0xa9: {  	v8 =	vld [tilespmem:s1+$0x0];
	_ =	sdelay $0x4  }
0xaa: {  	(v2sf) =	vpush v8, $0x0;
	_ =	sdelay $0xe  }
0xab: {  	s3 =	spop (v2sf)  }
0xac: {  	s26 =	sshrl.u32 s3, $0xE  }
0xad: {  	s29 =	sand.u32 $0x1, s28;
	s26 =	sand.u32 $0x1FF, s26  }
0xae: {  	s29 =	sshll.u32 s29, $0xF;
	v9 =	vmov s26  }
0xaf: {  	v8 =	vor.u32 s29, v4;
	v12 =	vand.u32 $0x7F, v9;
	v9 =	vshll.u32 v9, $0x3  }
0xb0: {  	v13 =	vand.u32 $0xC00, v9;
	v9 =	vor.u32 v8, v12  }
0xb1: {  	p1 =	slt.s32 s25, $0x10;
	v10 =	vor.u32 v13, v9  }
0xb2: {  	s26 =	simm.s32 @!p1 $0x2  }
0xb3: {  	_ =	swait.ge @!p1 [sflag:s26], $0x80  }
0xb4: {  	[sflag:s26] =	ssyncset.done @!p1 $0x0  }
0xb5: {  	v9 =	vor.u32 s29, v5;
	[sflag:s26] =	ssyncadd.s32 @!p1 $0xFFFFFF80  }
0xb6: {  	v11 =	vor.u32 v9, v12;
	v14 =	vld.idx.msk [tilespmem:v10+s14+$0x0], $0xffff  }
0xb7: {  	v11 =	vor.u32 v13, v11;
	_ =	sdelay $0x1  }
0xb8: {  	s30 =	sshll.u32 s25, $0x7  }
0xb9: {  	s15 =	sand.u32 $0x780, s30  }
0xba: {  	v10 =	vor.u32 s29, v6;
	[tilespmem:s15+$0x1C280] =	vst v14  }
0xbb: {  	v63 =	vor.u32 v10, v12;
	v15 =	vld.idx.msk [tilespmem:v11+s14+$0x0], $0xffff  }
0xbc: {  	v14 =	vor.u32 v13, v63;
	_ =	sdelay $0x3  }
0xbd: {  	v11 =	vor.u32 s29, v7;
	[tilespmem:s15+$0x1C290] =	vst v15  }
0xbe: {  	v12 =	vor.u32 v11, v12;
	v14 =	vld.idx.msk [tilespmem:v14+s14+$0x0], $0xffff  }
0xbf: {  	v12 =	vor.u32 v13, v12;
	_ =	sdelay $0x3  }
0xc0: {  	s29 =	sadd.s32 $0xFFFFFFFF, s0;
	[tilespmem:s15+$0x1C2A0] =	vst v14  }
0xc1: {  	p1 =	sne.s32 s29, $0x0;
	v12 =	vld.idx.msk [tilespmem:v12+s14+$0x0], $0xffff  }
.Ltmp11:
0xc2: {  	_ = 	snop;
	(pc) =	sbr.rel @!p1 .LBB2_14-.Ltmp11, $4  }
0xc3: {  	_ = 	snop  }
0xc4: {  	s30 =	sadd.s32 $0x80, s30;
	s3 =	sshll.u32 s3, $0x4  }
0xc5: {  	s31 =	sadd.s32 $0x1, s1;
	s26 =	sadd.s32 s25, s0;
	s0 =	sand.u32 $0x3FFF0, s3  }
0xc6: {  	s1 =	sadd.s32 $0x1C280, s15;
	s3 =	sadd.s32 $0x1, s25;
	s0 =	sadd.s32 s6, s0;
	[tilespmem:s15+$0x1C2B0] =	vst v12  }
.LBB2_13:
0xc7: {  	[hbm4b:s0+s4] =	stream.linear.scatter [tilespmem:s1], [sflag:$0x2], $0x80, $0x38;
	[tilespmem:$0x1CA80] =	vst v63  }
0xc8: {  	s29 =	sadd.s32 $0xFFFFFFFF, s29;
	v12 =	vld [tilespmem:s31+$0x0]  }
0xc9: {  	p1 =	sne.s32 s29, $0x0;
	_ =	sdelay $0x3  }
0xca: {  	(v2sf) =	vpush v12, $0x0;
	_ =	sdelay $0xe  }
0xcb: {  	s0 =	spop (v2sf)  }
0xcc: {  	s1 =	sshrl.u32 s0, $0xE;
	s0 =	sshll.u32 s0, $0x4  }
0xcd: {  	s1 =	sand.u32 $0x1FF, s1;
	s0 =	sand.u32 $0x3FFF0, s0  }
0xce: {  	v12 =	vmov s1  }
0xcf: {  	v13 =	vand.u32 $0x7F, v12;
	v12 =	vshll.u32 v12, $0x3  }
0xd0: {  	v12 =	vand.u32 $0xC00, v12;
	v14 =	vor.u32 v8, v13;
	v15 =	vor.u32 v9, v13  }
0xd1: {  	p2 =	slt.s32 s3, $0x10;
	v16 =	vor.u32 v10, v13;
	v14 =	vor.u32 v12, v14;
	v15 =	vor.u32 v12, v15  }
0xd2: {  	s1 =	simm.s32 @!p2 $0x2;
	v13 =	vor.u32 v11, v13;
	v16 =	vor.u32 v12, v16  }
0xd3: {  	v12 =	vor.u32 v12, v13;
	_ =	swait.ge @!p2 [sflag:s1], $0x80  }
0xd4: {  	[sflag:s1] =	ssyncset.done @!p2 $0x0  }
0xd5: {  	[sflag:s1] =	ssyncadd.s32 @!p2 $0xFFFFFF80  }
0xd6: {  	v13 =	vld.idx.msk [tilespmem:v14+s14+$0x0], $0xffff;
	_ =	sdelay $0x4  }
0xd7: {  	s15 =	sand.u32 $0x780, s30  }
0xd8: {  	[tilespmem:s15+$0x1C280] =	vst v13  }
0xd9: {  	v13 =	vld.idx.msk [tilespmem:v15+s14+$0x0], $0xffff;
	_ =	sdelay $0x5  }
0xda: {  	[tilespmem:s15+$0x1C290] =	vst v13  }
0xdb: {  	v13 =	vld.idx.msk [tilespmem:v16+s14+$0x0], $0xffff;
	_ =	sdelay $0x5  }
0xdc: {  	[tilespmem:s15+$0x1C2A0] =	vst v13  }
0xdd: {  	v12 =	vld.idx.msk [tilespmem:v12+s14+$0x0], $0xffff;
	_ =	sdelay $0x1  }
.Ltmp12:
0xde: {  	(pc) =	sbr.rel @p1 .LBB2_13-.Ltmp12, $3  }
0xdf: {  	_ =	sdelay $0x1  }
0xe0: {  	s30 =	sadd.s32 $0x80, s30;
	s31 =	sadd.s32 $0x1, s31  }
0xe1: {  	s3 =	sadd.s32 $0x1, s3;
	s0 =	sadd.s32 s6, s0;
	s1 =	sadd.s32 $0x1C280, s15;
	[tilespmem:s15+$0x1C2B0] =	vst v12  }
.Ltmp13:
0xe2: {  	_ = 	snop;
	(pc) =	sbr.rel .LBB2_14-.Ltmp13, $1  }
0xe3: {  	_ =	sdelay $0x3  }
.LBB2_16:
0xe4: {  	s0 =	simm.s32 @!p6 $0x0;
	s1 =	simm.s32 @!p6 $0xC280  }
0xe5: {  	[tilespmem:s1], [sflag:$0x3] =	stream.linear.gather @!p6 [hbm4b:s9+s0], $0x400, $0x38;
	[tilespmem:$0x1CA80] =	vst v63  }
0xe6: {  	s3 =	simm.s32 @!p6 $0xD280;
	s1 =	sadd.s32 @!p6 $0xF4280, s9  }
0xe7: {  	[tilespmem:s3], [sflag:$0x3] =	stream.linear.gather @!p6 [hbm4b:s1+s0], $0x400, $0x38;
	[tilespmem:$0x1CA80] =	vst v63  }
0xe8: {  	s1 =	sadd.s32 @!p6 $0x1E8500, s9;
	s3 =	simm.s32 @!p6 $0xE280  }
0xe9: {  	[tilespmem:s3], [sflag:$0x3] =	stream.linear.gather @!p6 [hbm4b:s1+s0], $0x400, $0x38;
	[tilespmem:$0x1CA80] =	vst v63  }
0xea: {  	s1 =	sadd.s32 @!p6 $0x2DC780, s9;
	s3 =	simm.s32 @!p6 $0xF280  }
0xeb: {  	[tilespmem:s3], [sflag:$0x3] =	stream.linear.gather @!p6 [hbm4b:s1+s0], $0x400, $0x38;
	[tilespmem:$0x1CA80] =	vst v63  }
0xec: {  	s1 =	sadd.s32 @!p6 $0x3D0A00, s9;
	s3 =	simm.s32 @!p6 $0x10280  }
0xed: {  	[tilespmem:s3], [sflag:$0x3] =	stream.linear.gather @!p6 [hbm4b:s1+s0], $0x400, $0x38;
	[tilespmem:$0x1CA80] =	vst v63  }
0xee: {  	s1 =	sadd.s32 @!p6 $0x4C4C80, s9;
	s3 =	simm.s32 @!p6 $0x11280  }
0xef: {  	[tilespmem:s3], [sflag:$0x3] =	stream.linear.gather @!p6 [hbm4b:s1+s0], $0x400, $0x38;
	[tilespmem:$0x1CA80] =	vst v63  }
0xf0: {  	s1 =	sadd.s32 @!p6 $0x5B8F00, s9;
	s3 =	simm.s32 @!p6 $0x12280  }
0xf1: {  	[tilespmem:s3], [sflag:$0x3] =	stream.linear.gather @!p6 [hbm4b:s1+s0], $0x400, $0x38;
	[tilespmem:$0x1CA80] =	vst v63  }
0xf2: {  	s1 =	sadd.s32 @!p6 $0x6AD180, s9;
	s3 =	simm.s32 @!p6 $0x13280  }
0xf3: {  	[tilespmem:s3], [sflag:$0x3] =	stream.linear.gather @!p6 [hbm4b:s1+s0], $0x400, $0x38;
	[tilespmem:$0x1CA80] =	vst v63  }
0xf4: {  	s0 =	simm.s32 @!p6 $0x3  }
0xf5: {  	_ =	swait.ge @!p6 [sflag:s0], $0x2000  }
0xf6: {  	[sflag:s0] =	ssyncset.done @!p6 $0x0  }
0xf7: {  	[sflag:s0] =	ssyncadd.s32 @!p6 $0xFFFFE000  }
0xf8: {  	v8 =	vld @!p6 [tilespmem:$0xC1BE]  }
0xf9: {  	v9 =	vld @!p6 [tilespmem:$0xC13E];
	_ =	sdelay $0x3  }
0xfa: {  	(v2sf) =	vpush @!p6 v8, $0x0  }
0xfb: {  	(v2sf) =	vpush @!p6 v9, $0x0;
	_ =	sdelay $0xd  }
0xfc: {  	s1 =	spop @!p6 (v2sf)  }
0xfd: {  	s0 =	spop @!p6 (v2sf)  }
0xfe: {  	s3 =	sadd.s32 @!p6 s1, s0  }
0xff: {  	p1 =	sge.s32 @!p6 s1, s3  }
0x100: {  	p1 =	por p6, p1  }
.Ltmp14:
0x101: {  	_ = 	snop;
	(pc) =	sbr.rel @p1 .LBB2_17-.Ltmp14, $1  }
0x102: {  	_ =	sdelay $0x3  }
0x103: {  	s1 =	sshll.u32 s1, $0x2  }
0x104: {  	s1 =	sshra.s32 s1, $0x2  }
0x105: {  	s1 =	sadd.s32 $0x8080, s1  }
0x106: {  	v8 =	vld [tilespmem:s1+$0x0];
	_ =	sdelay $0x4  }
0x107: {  	(v2sf) =	vpush v8, $0x0;
	_ =	sdelay $0xe  }
0x108: {  	s3 =	spop (v2sf)  }
0x109: {  	s15 =	sshrl.u32 s3, $0xE  }
0x10a: {  	s15 =	sand.u32 $0x1FF, s15  }
0x10b: {  	v8 =	vmov s15  }
0x10c: {  	v9 =	vshll.u32 v8, $0x3  }
0x10d: {  	v8 =	vand.u32 $0x7F, v8;
	v9 =	vand.u32 $0xC00, v9  }
0x10e: {  	v8 =	vor.u32 v8, v9  }
0x10f: {  	p1 =	slt.s32 s26, $0x10;
	v9 =	vor.u32 v4, v8  }
0x110: {  	s15 =	simm.s32 @!p1 $0x2  }
0x111: {  	_ =	swait.ge @!p1 [sflag:s15], $0x80  }
0x112: {  	[sflag:s15] =	ssyncset.done @!p1 $0x0  }
0x113: {  	p2 =	sgt.s32 s23, s24;
	[sflag:s15] =	ssyncadd.s32 @!p1 $0xFFFFFF80  }
0x114: {  	s24 =	smov.u32 @p2 s23;
	v9 =	vld.idx.msk [tilespmem:v9+s14+$0x0], $0xffff  }
0x115: {  	s30 =	sadd.s32 s24, s25;
	v10 =	vor.u32 v5, v8  }
0x116: {  	s15 =	ssub.s32 s30, s23  }
0x117: {  	s15 =	sshll.u32 s15, $0x7  }
0x118: {  	s29 =	sand.u32 $0x780, s15  }
0x119: {  	[tilespmem:s29+$0x1C280] =	vst v9  }
0x11a: {  	v9 =	vld.idx.msk [tilespmem:v10+s14+$0x0], $0xffff  }
0x11b: {  	v63 =	vor.u32 v6, v8;
	_ =	sdelay $0x3  }
0x11c: {  	[tilespmem:s29+$0x1C290] =	vst v9  }
0x11d: {  	v9 =	vld.idx.msk [tilespmem:v63+s14+$0x0], $0xffff  }
0x11e: {  	v8 =	vor.u32 v7, v8;
	_ =	sdelay $0x3  }
0x11f: {  	s24 =	sadd.s32 $0xFFFFFFFF, s0;
	[tilespmem:s29+$0x1C2A0] =	vst v9  }
0x120: {  	p1 =	sne.s32 s24, $0x0;
	v8 =	vld.idx.msk [tilespmem:v8+s14+$0x0], $0xffff  }
.Ltmp15:
0x121: {  	_ = 	snop;
	(pc) =	sbr.rel @!p1 .LBB2_20-.Ltmp15, $4  }
0x122: {  	_ = 	snop  }
0x123: {  	s28 =	sadd.s32 $0x1, s1;
	s31 =	sshll.u32 s3, $0x4  }
0x124: {  	s3 =	sadd.s32 $0x1, s26;
	s23 =	sadd.s32 s26, s0;
	s0 =	sand.u32 $0x3FFF0, s31  }
0x125: {  	s0 =	sadd.s32 s6, s0;
	s25 =	sadd.s32 $0x80, s15;
	s1 =	sadd.s32 $0x1C280, s29;
	[tilespmem:s29+$0x1C2B0] =	vst v8  }
.LBB2_19:
0x126: {  	[hbm4b:s0+s4] =	stream.linear.scatter [tilespmem:s1], [sflag:$0x2], $0x80, $0x38;
	[tilespmem:$0x1CA80] =	vst v63  }
0x127: {  	s24 =	sadd.s32 $0xFFFFFFFF, s24;
	v8 =	vld [tilespmem:s28+$0x0]  }
0x128: {  	p1 =	sne.s32 s24, $0x0;
	_ =	sdelay $0x3  }
0x129: {  	(v2sf) =	vpush v8, $0x0;
	_ =	sdelay $0xe  }
0x12a: {  	s0 =	spop (v2sf)  }
0x12b: {  	s1 =	sshrl.u32 s0, $0xE;
	s0 =	sshll.u32 s0, $0x4  }
0x12c: {  	s1 =	sand.u32 $0x1FF, s1;
	s0 =	sand.u32 $0x3FFF0, s0  }
0x12d: {  	v8 =	vmov s1  }
0x12e: {  	v9 =	vshll.u32 v8, $0x3  }
0x12f: {  	v8 =	vand.u32 $0x7F, v8;
	v9 =	vand.u32 $0xC00, v9  }
0x130: {  	v8 =	vor.u32 v8, v9  }
0x131: {  	p2 =	slt.s32 s3, $0x10;
	v9 =	vor.u32 v4, v8  }
0x132: {  	s1 =	simm.s32 @!p2 $0x2  }
0x133: {  	_ =	swait.ge @!p2 [sflag:s1], $0x80  }
0x134: {  	[sflag:s1] =	ssyncset.done @!p2 $0x0  }
0x135: {  	[sflag:s1] =	ssyncadd.s32 @!p2 $0xFFFFFF80  }
0x136: {  	v9 =	vld.idx.msk [tilespmem:v9+s14+$0x0], $0xffff;
	_ =	sdelay $0x1  }
0x137: {  	v10 =	vor.u32 v5, v8;
	_ =	sdelay $0x2  }
0x138: {  	s15 =	sand.u32 $0x780, s25  }
0x139: {  	[tilespmem:s15+$0x1C280] =	vst v9  }
0x13a: {  	v9 =	vld.idx.msk [tilespmem:v10+s14+$0x0], $0xffff;
	_ =	sdelay $0x1  }
0x13b: {  	v10 =	vor.u32 v6, v8;
	_ =	sdelay $0x3  }
0x13c: {  	[tilespmem:s15+$0x1C290] =	vst v9  }
0x13d: {  	v9 =	vld.idx.msk [tilespmem:v10+s14+$0x0], $0xffff;
	_ =	sdelay $0x1  }
0x13e: {  	v8 =	vor.u32 v7, v8;
	_ =	sdelay $0x3  }
0x13f: {  	[tilespmem:s15+$0x1C2A0] =	vst v9  }
0x140: {  	v8 =	vld.idx.msk [tilespmem:v8+s14+$0x0], $0xffff;
	_ =	sdelay $0x1  }
.Ltmp16:
0x141: {  	(pc) =	sbr.rel @p1 .LBB2_19-.Ltmp16, $3  }
0x142: {  	_ =	sdelay $0x1  }
0x143: {  	s25 =	sadd.s32 $0x80, s25;
	s28 =	sadd.s32 $0x1, s28  }
0x144: {  	s3 =	sadd.s32 $0x1, s3;
	s0 =	sadd.s32 s6, s0;
	s1 =	sadd.s32 $0x1C280, s15;
	[tilespmem:s15+$0x1C2B0] =	vst v8  }
.LBB2_20:
.Ltmp17:
0x145: {  	(pc) =	sbr.rel .LBB2_21-.Ltmp17, $2  }
0x146: {  	_ =	sdelay $0x2  }
0x147: {  	[hbm4b:s0+s4] =	stream.linear.scatter [tilespmem:s1], [sflag:$0x2], $0x80, $0x38;
	[tilespmem:$0x1CA80] =	vst v63  }
.LBB2_17:
0x148: {  	s26 =	smov.u32 @p6 s26  }
0x149: {  	s23 =	smov.u32 s26  }
.LBB2_21:
0x14a: {  	p1 =	slt.s32 s23, $0x1  }
0x14b: {  	s0 =	simm.s32 @!p1 $0x2  }
0x14c: {  	p2 =	seq.s32 @!p1 s23, $0x1;
	_ =	swait.ge @!p1 [sflag:s0], $0x80  }
0x14d: {  	p2 =	por p1, p2;
	[sflag:s0] =	ssyncset.done @!p1 $0x0  }
0x14e: {  	[sflag:s0] =	ssyncadd.s32 @!p1 $0xFFFFFF80;
	s0 =	simm.s32 @!p2 $0x2  }
0x14f: {  	p1 =	slt.u32 @!p2 s23, $0x3;
	_ =	swait.ge @!p2 [sflag:s0], $0x80  }
0x150: {  	p1 =	por p2, p1;
	[sflag:s0] =	ssyncset.done @!p2 $0x0  }
0x151: {  	[sflag:s0] =	ssyncadd.s32 @!p2 $0xFFFFFF80;
	s0 =	simm.s32 @!p1 $0x2  }
0x152: {  	p2 =	seq.s32 @!p1 s23, $0x3;
	_ =	swait.ge @!p1 [sflag:s0], $0x80  }
0x153: {  	p2 =	por p1, p2;
	[sflag:s0] =	ssyncset.done @!p1 $0x0  }
0x154: {  	[sflag:s0] =	ssyncadd.s32 @!p1 $0xFFFFFF80;
	s0 =	simm.s32 @!p2 $0x2  }
0x155: {  	p1 =	slt.u32 @!p2 s23, $0x5;
	_ =	swait.ge @!p2 [sflag:s0], $0x80  }
0x156: {  	p1 =	por p2, p1;
	[sflag:s0] =	ssyncset.done @!p2 $0x0  }
0x157: {  	[sflag:s0] =	ssyncadd.s32 @!p2 $0xFFFFFF80;
	s0 =	simm.s32 @!p1 $0x2  }
0x158: {  	p2 =	seq.s32 @!p1 s23, $0x5;
	_ =	swait.ge @!p1 [sflag:s0], $0x80  }
0x159: {  	p2 =	por p1, p2;
	[sflag:s0] =	ssyncset.done @!p1 $0x0  }
0x15a: {  	[sflag:s0] =	ssyncadd.s32 @!p1 $0xFFFFFF80;
	s0 =	simm.s32 @!p2 $0x2  }
0x15b: {  	p1 =	slt.u32 @!p2 s23, $0x7;
	_ =	swait.ge @!p2 [sflag:s0], $0x80  }
0x15c: {  	p1 =	por p2, p1;
	[sflag:s0] =	ssyncset.done @!p2 $0x0  }
0x15d: {  	[sflag:s0] =	ssyncadd.s32 @!p2 $0xFFFFFF80;
	s0 =	simm.s32 @!p1 $0x2  }
0x15e: {  	p2 =	seq.s32 @!p1 s23, $0x7;
	_ =	swait.ge @!p1 [sflag:s0], $0x80  }
0x15f: {  	p2 =	por p1, p2;
	[sflag:s0] =	ssyncset.done @!p1 $0x0  }
0x160: {  	[sflag:s0] =	ssyncadd.s32 @!p1 $0xFFFFFF80;
	s0 =	simm.s32 @!p2 $0x2  }
0x161: {  	p1 =	slt.u32 @!p2 s23, $0x9;
	_ =	swait.ge @!p2 [sflag:s0], $0x80  }
0x162: {  	p1 =	por p2, p1;
	[sflag:s0] =	ssyncset.done @!p2 $0x0  }
0x163: {  	[sflag:s0] =	ssyncadd.s32 @!p2 $0xFFFFFF80;
	s0 =	simm.s32 @!p1 $0x2  }
0x164: {  	p2 =	seq.s32 @!p1 s23, $0x9;
	_ =	swait.ge @!p1 [sflag:s0], $0x80  }
0x165: {  	p2 =	por p1, p2;
	[sflag:s0] =	ssyncset.done @!p1 $0x0  }
0x166: {  	[sflag:s0] =	ssyncadd.s32 @!p1 $0xFFFFFF80;
	p1 =	slt.u32 @!p2 s23, $0xB  }
0x167: {  	p1 =	por p2, p1  }
.Ltmp18:
0x168: {  	_ = 	snop;
	(pc) =	sbr.rel @p1 .LBB2_23-.Ltmp18, $4  }
0x169: {  	s0 =	simm.s32 @!p2 $0x2  }
0x16a: {  	_ =	swait.ge @!p2 [sflag:s0], $0x80  }
0x16b: {  	[sflag:s0] =	ssyncset.done @!p2 $0x0  }
0x16c: {  	[sflag:s0] =	ssyncadd.s32 @!p2 $0xFFFFFF80  }
0x16d: {  	p1 =	seq.s32 s23, $0xB  }
0x16e: {  	p2 =	slt.u32 @!p1 s23, $0xD  }
0x16f: {  	p3 =	por p2, p1  }
0x170: {  	_ =	swait.ge [sflag:s21], $0x80;
	p0 =	seq.s32 @!p3 s23, $0xD  }
0x171: {  	[sflag:s21] =	ssyncset.done $0x0;
	s0 =	simm.s32 @!p1 $0x2;
	s1 =	simm.s32 @!p0 $0x0  }
0x172: {  	[sflag:s21] =	ssyncadd.s32 $0xFFFFFF80;
	p5 =	por @!p1 p0, p2;
	s1 =	simm.s32 @p0 $0x1  }
0x173: {  	p5 =	por p5, p1;
	[smem:$0x7FC] =	sst s1;
	s1 =	simm.s32 @!p2 $0x0  }
0x174: {  	p4 =	slt.u32 @!p5 s23, $0xF;
	_ =	swait.ge @!p1 [sflag:s0], $0x80;
	s1 =	simm.s32 @p2 $0x1  }
0x175: {  	[smem:$0x7FD] =	sst s1;
	s1 =	simm.s32 @!p4 $0x0  }
0x176: {  	[sflag:s0] =	ssyncset.done @!p1 $0x0;
	s1 =	simm.s32 @p4 $0x1  }
0x177: {  	[sflag:s0] =	ssyncadd.s32 @!p1 $0xFFFFFF80;
	s0 =	simm.s32 @!p3 $0x2;
	[smem:$0x7FB] =	sst s1  }
0x178: {  	_ =	swait.ge @!p3 [sflag:s0], $0x80  }
0x179: {  	[sflag:s0] =	ssyncset.done @!p3 $0x0  }
0x17a: {  	p0 =	por @!p3 p4, p0;
	[sflag:s0] =	ssyncadd.s32 @!p3 $0xFFFFFF80;
	s0 =	simm.s32 @!p5 $0x2  }
0x17b: {  	p0 =	por @!p1 p0, p2;
	_ =	swait.ge @!p5 [sflag:s0], $0x80  }
0x17c: {  	p0 =	por p0, p1;
	[sflag:s0] =	ssyncset.done @!p5 $0x0  }
0x17d: {  	s29 =	sld [smem:$0x7FB];
	[sflag:s0] =	ssyncadd.s32 @!p5 $0xFFFFFF80;
	s0 =	simm.s32 @!p0 $0x2  }
0x17e: {  	s30 =	sld [smem:$0x7FC];
	_ =	swait.ge @!p0 [sflag:s0], $0x80  }
0x17f: {  	s31 =	sld [smem:$0x7FD]  }
0x180: {  	p4 =	seq.s32 @!p0 s23, $0xF;
	p2 =	seq.s32 s29, $0x1  }
0x181: {  	p4 =	por @!p5 p4, p2;
	p5 =	seq.s32 s30, $0x1  }
0x182: {  	p3 =	por @!p3 p4, p5;
	p2 =	seq.s32 s31, $0x1  }
0x183: {  	p2 =	por @!p1 p3, p2  }
.Ltmp19:
0x184: {  	[sflag:s0] =	ssyncset.done @!p0 $0x0;
	p1 =	por p2, p1;
	(pc) =	sbr.rel .LBB2_23-.Ltmp19, $4  }
0x185: {  	[sflag:s0] =	ssyncadd.s32 @!p0 $0xFFFFFF80;
	s0 =	simm.s32 @!p1 $0x2  }
0x186: {  	_ =	swait.ge @!p1 [sflag:s0], $0x80  }
0x187: {  	[sflag:s0] =	ssyncset.done @!p1 $0x0  }
0x188: {  	[sflag:s0] =	ssyncadd.s32 @!p1 $0xFFFFFF80  }
.LBB2_24:
0x189: {  	_ =	sfence.sel $0x180000  }
0x18a: {  	[bflag:$0x0] =	sbarrier.arrive $0xFFFF  }
0x18b: {  	_ =	strace $0x90000047  }
0x18c: {  	s0 =	stileid.u32;
	[bflag:$0x2] =	sbarrier.arrive $0xFFFF  }
0x18d: {  	p0 =	sne.s32 s0, $0x0;
	s0 =	rddreg [dreg:$0x3]  }
0x18e: {  	s0 =	sadd.s32 @!p0 $0x100000, s0  }
0x18f: {  	[sflag:s0] =	ssyncadd.tile.s32 @!p0 $0x1;
	_ =	shalt  }
.Lfunc_end2:
_tile_overlayer_lowered:
.L_overlay_start_2:
0x190: {  	(tag) =	ssettag $0x2  }
0x191: {  	s0 =	rddreg [dreg:$0x0];
	s2 =	stileid.u32  }
0x192: {  	s1 =	rddreg [dreg:$0x1];
	p0 =	sne.s32 s2, $0x0  }
0x193: {  	s3 =	rddreg [dreg:$0x2];
	[bflag:$0x3] =	sbarrier.arrive $0xFFFF;
	s2 =	simm.s32 @!p0 $0x1C03  }
0x194: {  	[timem:s3], [sflag:s2] =	dma.local @!p0 [hbm:s0], s1  }
0x195: {  	s0 =	simm.s32 @!p0 $0x3  }
0x196: {  	_ =	swait.ge @!p0 [sflag:s0], s1  }
0x197: {  	s1 =	ssub.s32 @!p0 $0x0, s1;
	[sflag:s0] =	ssyncset.done @!p0 $0x0  }
0x198: {  	[sflag:s0] =	ssyncadd.s32 @!p0 s1  }
0x199: {  	[bflag:$0x3] =	sbarrier.arrive $0xFFFF  }
0x19a: {  	_ =	shalt  }

</sc_bundles>
